<compile_context>
chip_gen: v7x
topology: tpu7x:2x2x1
jax: 0.10.2.dev20260603
libtpu: 0.0.44.dev20260713+nightly
codegen_flags: <defaults>
</compile_context>

<pallas_src>
import functools

import jax
import jax.numpy as jnp
from jax import lax
from jax.experimental import pallas as pl
from jax.experimental.pallas import tpu as pltpu
from jax.experimental.pallas import tpu_sc as plsc

_NF = 26
_V = 100001
_VP = 100096
_D = 32
_B = 1024
_L = 50
_NTOK = _B * _L
_NCORES = 2
_NSUB = 16
_NW = _NCORES * _NSUB
_NFLD = _NF + 1
_NU = _NFLD * _D
_UPW = _NU // _NW
_C = 6400
_NC = _NTOK // _C


def _make_kernel():
    mesh = plsc.VectorSubcoreMesh(core_axis_name="c", subcore_axis_name="s")

    @functools.partial(
        pl.kernel,
        out_type=jax.ShapeDtypeStruct((_NU, 1, _NTOK), jnp.float32),
        mesh=mesh,
        compiler_params=pltpu.CompilerParams(needs_layout_passes=False),
        scratch_types=[
            pltpu.VMEM((_VP,), jnp.float32),
            pltpu.VMEM((1, _C), jnp.int32),
            pltpu.VMEM((1, _C), jnp.int32),
            pltpu.VMEM((1, _C), jnp.float32),
            pltpu.VMEM((1, _C), jnp.float32),
            pltpu.SemaphoreType.DMA,
            pltpu.SemaphoreType.DMA,
        ],
    )
    def emb(flat, idx_all, out, slab_v, idx0, idx1, ov0, ov1, isem, osem):
        w = lax.axis_index("c") * _NSUB + lax.axis_index("s")
        iota16 = lax.iota(jnp.int32, 16)
        zero16 = iota16 * 0
        ibufs = (idx0, idx1)
        obufs = (ov0, ov1)

        def unit_body(j, carry):
            u = w * _UPW + j
            f = lax.shift_right_logical(u, 5)
            pltpu.sync_copy(flat.at[pl.ds(u * _VP, _VP)], slab_v)
            ih = [
                pltpu.async_copy(
                    idx_all.at[f, :, pl.ds(0, _C)], ibufs[0], isem
                )
            ]
            oh = []
            for c in range(_NC):
                bi = c % 2
                ih[c].wait()
                if c + 1 < _NC:
                    ih.append(
                        pltpu.async_copy(
                            idx_all.at[f, :, pl.ds((c + 1) * _C, _C)],
                            ibufs[1 - bi], isem,
                        )
                    )
                if c >= 2:
                    oh[c - 2].wait()
                idx_v = ibufs[bi]
                o_v = obufs[bi]

                def blk(b, carry2):
                    for k in range(8):
                        lane = b * 128 + k * 16 + iota16
                        iv = plsc.load_gather(idx_v, [zero16, lane])
                        vals = plsc.load_gather(slab_v, [iv])
                        plsc.store_scatter(o_v, [zero16, lane], vals)
                    return carry2

                lax.fori_loop(0, _C // 128, blk, 0)
                oh.append(
                    pltpu.async_copy(
                        o_v, out.at[u, :, pl.ds(c * _C, _C)], osem
                    )
                )
            oh[_NC - 2].wait()
            oh[_NC - 1].wait()
            return carry

        lax.fori_loop(0, _UPW, unit_body, 0)

    return emb


_EMB = _make_kernel()


def kernel(transactions_cat_features, product_feature, tables, product_table):
    trans = transactions_cat_features.astype(jnp.int32)
    idx_f = trans.reshape(_NF, _NTOK)
    idx_p = jnp.broadcast_to(
        product_feature.astype(jnp.int32)[:, None], (_B, _L)
    ).reshape(1, _NTOK)
    idx_all = jnp.concatenate([idx_f, idx_p], axis=0).reshape(_NFLD, 1, _NTOK)
    tpad = jnp.pad(
        jnp.transpose(tables, (0, 2, 1)), ((0, 0), (0, 0), (0, _VP - _V))
    ).reshape(_NF * _D * _VP)
    ppad = jnp.pad(
        jnp.transpose(product_table, (1, 0)), ((0, 0), (0, _VP - _V))
    ).reshape(_D * _VP)
    flat = jnp.concatenate([tpad, ppad])
    out_t = _EMB(flat, idx_all)
    eye = jnp.eye(_NU, dtype=jnp.float32)
    picked = jax.lax.dot_general(
        out_t.reshape(_NU, _NTOK), eye, (((0,), (0,)), ((), ())),
        preferred_element_type=jnp.float32,
    )
    return picked.reshape(_B, _L, _NU)

# --- scband reference (transcript-rebuilt; emitter-appended) ---
"""Pipeline reference for scband-embedding-layer-87230785782064 (READ-ONLY COPY).

The authoritative reference and input builder live on the scoring server;
editing this copy changes nothing except your own understanding.
"""

import jax, jax.numpy as jnp
import numpy as np

N_FIELDS = 26
VOCAB = 100000
DIM = 32
BATCH = 1024
SEQ = 50


def setup_inputs(seed: int = 0) -> dict:
    key = jax.random.key(seed)
    k1, k2, k3, k4 = jax.random.split(key, 4)
    transactions_cat_features = jax.random.randint(k1, (N_FIELDS, BATCH, SEQ), 0, VOCAB)
    product_feature = jax.random.randint(k2, (BATCH,), 0, VOCAB)
    # 26 categorical tables, each nn.Embedding(cardinality+1, 32, padding_idx=0)
    tables = jax.random.normal(k3, (N_FIELDS, VOCAB + 1, DIM), dtype=jnp.float32) * 0.02
    tables = tables.at[:, 0, :].set(0.0)  # padding_idx=0 rows are zero
    # product table: nn.Embedding(cardinality+1, 32), no padding_idx
    product_table = jax.random.normal(k4, (VOCAB + 1, DIM), dtype=jnp.float32) * 0.02
    return {
        "transactions_cat_features": transactions_cat_features,
        "product_feature": product_feature,
        "tables": tables,
        "product_table": product_table,
    }


def reference(transactions_cat_features, product_feature, tables, product_table):
    # per-field embedding lookup: [F, B, L, D]
    emb = jax.vmap(lambda t, i: jnp.take(t, i, axis=0))(tables, transactions_cat_features)
    emb = jnp.moveaxis(emb, 0, 2)  # [B, L, F, D]
    B, L = emb.shape[0], emb.shape[1]
    concated = emb.reshape(B, L, -1)  # torch.cat(embeddings, dim=-1)
    prod = jnp.take(product_table, product_feature, axis=0)  # [B, D]
    prod = jnp.broadcast_to(prod[:, None, :], (B, L, prod.shape[-1]))  # unsqueeze+repeat
    return jnp.concatenate([concated, prod], axis=-1)

if __name__ == "__main__":
    import jax
    _d = setup_inputs()
    print(jax.jit(kernel)(*tuple(_d.values())))

</pallas_src>

<mosaic_0001>
#map = affine_map<(d0, d1) -> (0)>
#map1 = affine_map<(d0, d1) -> (0, 0, 0)>
module attributes {stable_mosaic.version = 14 : i64} {
  func.func @emb(%arg0: i32, %arg1: i32, %arg2: memref<86482944xf32, #tpu.memory_space<hbm>>, %arg3: memref<27x1x51200xi32, #tpu.memory_space<hbm>>, %arg4: memref<864x1x51200xf32, #tpu.memory_space<hbm>>, %arg5: memref<100096xf32, #tpu.memory_space<vmem>>, %arg6: memref<1x6400xi32, #tpu.memory_space<vmem>>, %arg7: memref<1x6400xi32, #tpu.memory_space<vmem>>, %arg8: memref<1x6400xf32, #tpu.memory_space<vmem>>, %arg9: memref<1x6400xf32, #tpu.memory_space<vmem>>, %arg10: memref<!tpu.dma_semaphore, #tpu.memory_space<semaphore_mem>>, %arg11: memref<!tpu.dma_semaphore, #tpu.memory_space<semaphore_mem>>) attributes {dimension_semantics = [#tpu.dimension_semantics<core_parallel>, #tpu.dimension_semantics<subcore_parallel>], iteration_bounds = array<i64: 2, 16>, scalar_prefetch = 0 : i64, scratch_operands = 7 : i64, tpu.core_type = #tpu.core_type<sc_vector_subcore>, window_params = [{transform_indices = #map}, {transform_indices = #map1}, {transform_indices = #map1}]} {
    %mul3A = arith.constant 16 : i32
    %mul3A_0 = arith.muli %arg0, %mul3A : i32
    %add3A = arith.addi %mul3A_0, %arg1 : i32
    %iota3A = tpu.iota {dimensions = array<i32: 0>} : vector<16xi32>
    %mul3A_1 = arith.constant 0 : i32
    %mul3A_2 = vector.broadcast %mul3A_1 : i32 to vector<16xi32>
    %mul3A_3 = arith.muli %iota3A, %mul3A_2 : vector<16xi32>
    %scan3A = arith.constant 0 : i32
    %scan3A_4 = arith.constant 0 : i32
    %scan3A_5 = arith.constant 27 : i32
    %scan3A_6 = arith.addi %scan3A_4, %scan3A_5 : i32
    %scan3A_7 = arith.constant 1 : i32
    scf.for %scan3A_9 = %scan3A_4 to %scan3A_6 step %scan3A_7  : i32 {
      %mul3A_10 = arith.constant 27 : i32
      %mul3A_11 = arith.muli %add3A, %mul3A_10 : i32
      %add3A_12 = arith.addi %mul3A_11, %scan3A_9 : i32
      %shift_right_logical3A = arith.constant 5 : i32
      %shift_right_logical3A_13 = arith.shrui %add3A_12, %shift_right_logical3A : i32
      %mul3A_14 = arith.constant 100096 : i32
      %mul3A_15 = arith.muli %add3A_12, %mul3A_14 : i32
      "tpu.region"() ({
        %run_scoped3A = tpu.sem_alloc : memref<!tpu.dma_semaphore, #tpu.memory_space<semaphore_mem>>
        %dma_start3A_318 = tpu.memref_slice %arg2[%mul3A_15] : memref<86482944xf32, #tpu.memory_space<hbm>> -> memref<100096xf32, #tpu.memory_space<hbm>>
        %dma_start3A_319 = tpu.memref_slice %arg2[%mul3A_15] : memref<86482944xf32, #tpu.memory_space<hbm>> -> memref<100096xf32, #tpu.memory_space<hbm>>
        tpu.enqueue_dma source(%dma_start3A_319 : memref<100096xf32, #tpu.memory_space<hbm>>) target(%arg5 : memref<100096xf32, #tpu.memory_space<vmem>>) target_semaphore(%run_scoped3A : memref<!tpu.dma_semaphore, #tpu.memory_space<semaphore_mem>>)
        %dma_wait3A_320 = tpu.memref_slice %arg2[%mul3A_15] : memref<86482944xf32, #tpu.memory_space<hbm>> -> memref<100096xf32, #tpu.memory_space<hbm>>
        %dma_wait3A_321 = tpu.memref_slice %arg2[%mul3A_15] : memref<86482944xf32, #tpu.memory_space<hbm>> -> memref<100096xf32, #tpu.memory_space<hbm>>
        tpu.wait_dma2 semaphore(%run_scoped3A : memref<!tpu.dma_semaphore, #tpu.memory_space<semaphore_mem>>) src(%dma_wait3A_321 : memref<100096xf32, #tpu.memory_space<hbm>>) dst(%arg5 : memref<100096xf32, #tpu.memory_space<vmem>>)
        tpu.yield
      }) : () -> ()
      %dma_start3A = arith.constant 0 : i32
      %dma_start3A_16 = arith.constant 0 : i32
      %dma_start3A_17 = tpu.memref_slice %arg3[%shift_right_logical3A_13, %dma_start3A, %dma_start3A_16] : memref<27x1x51200xi32, #tpu.memory_space<hbm>> -> memref<1x1x6400xi32, #tpu.memory_space<hbm>>
      %dma_start3A_18 = tpu.memref_squeeze %dma_start3A_17 : memref<1x1x6400xi32, #tpu.memory_space<hbm>> -> memref<1x6400xi32, #tpu.memory_space<hbm>>
      %dma_start3A_19 = arith.constant 0 : i32
      %dma_start3A_20 = arith.constant 0 : i32
      %dma_start3A_21 = tpu.memref_slice %arg3[%shift_right_logical3A_13, %dma_start3A_19, %dma_start3A_20] : memref<27x1x51200xi32, #tpu.memory_space<hbm>> -> memref<1x1x6400xi32, #tpu.memory_space<hbm>>
      %dma_start3A_22 = tpu.memref_squeeze %dma_start3A_21 : memref<1x1x6400xi32, #tpu.memory_space<hbm>> -> memref<1x6400xi32, #tpu.memory_space<hbm>>
      tpu.enqueue_dma source(%dma_start3A_22 : memref<1x6400xi32, #tpu.memory_space<hbm>>) target(%arg6 : memref<1x6400xi32, #tpu.memory_space<vmem>>) target_semaphore(%arg10 : memref<!tpu.dma_semaphore, #tpu.memory_space<semaphore_mem>>)
      %dma_wait3A = arith.constant 0 : i32
      %dma_wait3A_23 = arith.constant 0 : i32
      %dma_wait3A_24 = tpu.memref_slice %arg3[%shift_right_logical3A_13, %dma_wait3A, %dma_wait3A_23] : memref<27x1x51200xi32, #tpu.memory_space<hbm>> -> memref<1x1x6400xi32, #tpu.memory_space<hbm>>
      %dma_wait3A_25 = tpu.memref_squeeze %dma_wait3A_24 : memref<1x1x6400xi32, #tpu.memory_space<hbm>> -> memref<1x6400xi32, #tpu.memory_space<hbm>>
      %dma_wait3A_26 = arith.constant 0 : i32
      %dma_wait3A_27 = arith.constant 0 : i32
      %dma_wait3A_28 = tpu.memref_slice %arg3[%shift_right_logical3A_13, %dma_wait3A_26, %dma_wait3A_27] : memref<27x1x51200xi32, #tpu.memory_space<hbm>> -> memref<1x1x6400xi32, #tpu.memory_space<hbm>>
      %dma_wait3A_29 = tpu.memref_squeeze %dma_wait3A_28 : memref<1x1x6400xi32, #tpu.memory_space<hbm>> -> memref<1x6400xi32, #tpu.memory_space<hbm>>
      tpu.wait_dma2 semaphore(%arg10 : memref<!tpu.dma_semaphore, #tpu.memory_space<semaphore_mem>>) src(%dma_wait3A_29 : memref<1x6400xi32, #tpu.memory_space<hbm>>) dst(%arg6 : memref<1x6400xi32, #tpu.memory_space<vmem>>)
      %dma_start3A_30 = arith.constant 0 : i32
      %dma_start3A_31 = arith.constant 6400 : i32
      %dma_start3A_32 = tpu.memref_slice %arg3[%shift_right_logical3A_13, %dma_start3A_30, %dma_start3A_31] : memref<27x1x51200xi32, #tpu.memory_space<hbm>> -> memref<1x1x6400xi32, #tpu.memory_space<hbm>>
      %dma_start3A_33 = tpu.memref_squeeze %dma_start3A_32 : memref<1x1x6400xi32, #tpu.memory_space<hbm>> -> memref<1x6400xi32, #tpu.memory_space<hbm>>
      %dma_start3A_34 = arith.constant 0 : i32
      %dma_start3A_35 = arith.constant 6400 : i32
      %dma_start3A_36 = tpu.memref_slice %arg3[%shift_right_logical3A_13, %dma_start3A_34, %dma_start3A_35] : memref<27x1x51200xi32, #tpu.memory_space<hbm>> -> memref<1x1x6400xi32, #tpu.memory_space<hbm>>
      %dma_start3A_37 = tpu.memref_squeeze %dma_start3A_36 : memref<1x1x6400xi32, #tpu.memory_space<hbm>> -> memref<1x6400xi32, #tpu.memory_space<hbm>>
      tpu.enqueue_dma source(%dma_start3A_37 : memref<1x6400xi32, #tpu.memory_space<hbm>>) target(%arg7 : memref<1x6400xi32, #tpu.memory_space<vmem>>) target_semaphore(%arg10 : memref<!tpu.dma_semaphore, #tpu.memory_space<semaphore_mem>>)
      %scan3A_38 = arith.constant 0 : i32
      %scan3A_39 = arith.constant 0 : i32
      %scan3A_40 = arith.constant 50 : i32
      %scan3A_41 = arith.addi %scan3A_39, %scan3A_40 : i32
      %scan3A_42 = arith.constant 1 : i32
      scf.for %scan3A_318 = %scan3A_39 to %scan3A_41 step %scan3A_42  : i32 {
        %mul3A_319 = arith.constant 128 : i32
        %mul3A_320 = arith.muli %scan3A_318, %mul3A_319 : i32
        %add3A_321 = arith.constant 0 : i32
        %add3A_322 = arith.addi %mul3A_320, %add3A_321 : i32
        %add3A_323 = vector.broadcast %add3A_322 : i32 to vector<16xi32>
        %add3A_324 = arith.addi %add3A_323, %iota3A : vector<16xi32>
        %gather3A = tpu.vector_load_idx %arg6[%mul3A_3, %add3A_324] : memref<1x6400xi32, #tpu.memory_space<vmem>>[vector<16xi32>, vector<16xi32>], vector<16xi32>,
        %gather3A_325 = tpu.vector_load_idx %arg5[%gather3A] : memref<100096xf32, #tpu.memory_space<vmem>>[vector<16xi32>], vector<16xf32>,
        tpu.vector_store_idx %arg8[%mul3A_3, %add3A_324], %gather3A_325 : memref<1x6400xf32, #tpu.memory_space<vmem>>[vector<16xi32>, vector<16xi32>], vector<16xf32>,
        %mul3A_326 = arith.constant 128 : i32
        %mul3A_327 = arith.muli %scan3A_318, %mul3A_326 : i32
        %add3A_328 = arith.constant 16 : i32
        %add3A_329 = arith.addi %mul3A_327, %add3A_328 : i32
        %add3A_330 = vector.broadcast %add3A_329 : i32 to vector<16xi32>
        %add3A_331 = arith.addi %add3A_330, %iota3A : vector<16xi32>
        %gather3A_332 = tpu.vector_load_idx %arg6[%mul3A_3, %add3A_331] : memref<1x6400xi32, #tpu.memory_space<vmem>>[vector<16xi32>, vector<16xi32>], vector<16xi32>,
        %gather3A_333 = tpu.vector_load_idx %arg5[%gather3A_332] : memref<100096xf32, #tpu.memory_space<vmem>>[vector<16xi32>], vector<16xf32>,
        tpu.vector_store_idx %arg8[%mul3A_3, %add3A_331], %gather3A_333 : memref<1x6400xf32, #tpu.memory_space<vmem>>[vector<16xi32>, vector<16xi32>], vector<16xf32>,
        %mul3A_334 = arith.constant 128 : i32
        %mul3A_335 = arith.muli %scan3A_318, %mul3A_334 : i32
        %add3A_336 = arith.constant 32 : i32
        %add3A_337 = arith.addi %mul3A_335, %add3A_336 : i32
        %add3A_338 = vector.broadcast %add3A_337 : i32 to vector<16xi32>
        %add3A_339 = arith.addi %add3A_338, %iota3A : vector<16xi32>
        %gather3A_340 = tpu.vector_load_idx %arg6[%mul3A_3, %add3A_339] : memref<1x6400xi32, #tpu.memory_space<vmem>>[vector<16xi32>, vector<16xi32>], vector<16xi32>,
        %gather3A_341 = tpu.vector_load_idx %arg5[%gather3A_340] : memref<100096xf32, #tpu.memory_space<vmem>>[vector<16xi32>], vector<16xf32>,
        tpu.vector_store_idx %arg8[%mul3A_3, %add3A_339], %gather3A_341 : memref<1x6400xf32, #tpu.memory_space<vmem>>[vector<16xi32>, vector<16xi32>], vector<16xf32>,
        %mul3A_342 = arith.constant 128 : i32
        %mul3A_343 = arith.muli %scan3A_318, %mul3A_342 : i32
        %add3A_344 = arith.constant 48 : i32
        %add3A_345 = arith.addi %mul3A_343, %add3A_344 : i32
        %add3A_346 = vector.broadcast %add3A_345 : i32 to vector<16xi32>
        %add3A_347 = arith.addi %add3A_346, %iota3A : vector<16xi32>
        %gather3A_348 = tpu.vector_load_idx %arg6[%mul3A_3, %add3A_347] : memref<1x6400xi32, #tpu.memory_space<vmem>>[vector<16xi32>, vector<16xi32>], vector<16xi32>,
        %gather3A_349 = tpu.vector_load_idx %arg5[%gather3A_348] : memref<100096xf32, #tpu.memory_space<vmem>>[vector<16xi32>], vector<16xf32>,
        tpu.vector_store_idx %arg8[%mul3A_3, %add3A_347], %gather3A_349 : memref<1x6400xf32, #tpu.memory_space<vmem>>[vector<16xi32>, vector<16xi32>], vector<16xf32>,
        %mul3A_350 = arith.constant 128 : i32
        %mul3A_351 = arith.muli %scan3A_318, %mul3A_350 : i32
        %add3A_352 = arith.constant 64 : i32
        %add3A_353 = arith.addi %mul3A_351, %add3A_352 : i32
        %add3A_354 = vector.broadcast %add3A_353 : i32 to vector<16xi32>
        %add3A_355 = arith.addi %add3A_354, %iota3A : vector<16xi32>
        %gather3A_356 = tpu.vector_load_idx %arg6[%mul3A_3, %add3A_355] : memref<1x6400xi32, #tpu.memory_space<vmem>>[vector<16xi32>, vector<16xi32>], vector<16xi32>,
        %gather3A_357 = tpu.vector_load_idx %arg5[%gather3A_356] : memref<100096xf32, #tpu.memory_space<vmem>>[vector<16xi32>], vector<16xf32>,
        tpu.vector_store_idx %arg8[%mul3A_3, %add3A_355], %gather3A_357 : memref<1x6400xf32, #tpu.memory_space<vmem>>[vector<16xi32>, vector<16xi32>], vector<16xf32>,
        %mul3A_358 = arith.constant 128 : i32
        %mul3A_359 = arith.muli %scan3A_318, %mul3A_358 : i32
        %add3A_360 = arith.constant 80 : i32
        %add3A_361 = arith.addi %mul3A_359, %add3A_360 : i32
        %add3A_362 = vector.broadcast %add3A_361 : i32 to vector<16xi32>
        %add3A_363 = arith.addi %add3A_362, %iota3A : vector<16xi32>
        %gather3A_364 = tpu.vector_load_idx %arg6[%mul3A_3, %add3A_363] : memref<1x6400xi32, #tpu.memory_space<vmem>>[vector<16xi32>, vector<16xi32>], vector<16xi32>,
        %gather3A_365 = tpu.vector_load_idx %arg5[%gather3A_364] : memref<100096xf32, #tpu.memory_space<vmem>>[vector<16xi32>], vector<16xf32>,
        tpu.vector_store_idx %arg8[%mul3A_3, %add3A_363], %gather3A_365 : memref<1x6400xf32, #tpu.memory_space<vmem>>[vector<16xi32>, vector<16xi32>], vector<16xf32>,
        %mul3A_366 = arith.constant 128 : i32
        %mul3A_367 = arith.muli %scan3A_318, %mul3A_366 : i32
        %add3A_368 = arith.constant 96 : i32
        %add3A_369 = arith.addi %mul3A_367, %add3A_368 : i32
        %add3A_370 = vector.broadcast %add3A_369 : i32 to vector<16xi32>
        %add3A_371 = arith.addi %add3A_370, %iota3A : vector<16xi32>
        %gather3A_372 = tpu.vector_load_idx %arg6[%mul3A_3, %add3A_371] : memref<1x6400xi32, #tpu.memory_space<vmem>>[vector<16xi32>, vector<16xi32>], vector<16xi32>,
        %gather3A_373 = tpu.vector_load_idx %arg5[%gather3A_372] : memref<100096xf32, #tpu.memory_space<vmem>>[vector<16xi32>], vector<16xf32>,
        tpu.vector_store_idx %arg8[%mul3A_3, %add3A_371], %gather3A_373 : memref<1x6400xf32, #tpu.memory_space<vmem>>[vector<16xi32>, vector<16xi32>], vector<16xf32>,
        %mul3A_374 = arith.constant 128 : i32
        %mul3A_375 = arith.muli %scan3A_318, %mul3A_374 : i32
        %add3A_376 = arith.constant 112 : i32
        %add3A_377 = arith.addi %mul3A_375, %add3A_376 : i32
        %add3A_378 = vector.broadcast %add3A_377 : i32 to vector<16xi32>
        %add3A_379 = arith.addi %add3A_378, %iota3A : vector<16xi32>
        %gather3A_380 = tpu.vector_load_idx %arg6[%mul3A_3, %add3A_379] : memref<1x6400xi32, #tpu.memory_space<vmem>>[vector<16xi32>, vector<16xi32>], vector<16xi32>,
        %gather3A_381 = tpu.vector_load_idx %arg5[%gather3A_380] : memref<100096xf32, #tpu.memory_space<vmem>>[vector<16xi32>], vector<16xf32>,
        tpu.vector_store_idx %arg8[%mul3A_3, %add3A_379], %gather3A_381 : memref<1x6400xf32, #tpu.memory_space<vmem>>[vector<16xi32>, vector<16xi32>], vector<16xf32>,
      }
      %scan3A_43 = arith.constant 50 : i32
      %dma_start3A_44 = arith.constant 0 : i32
      %dma_start3A_45 = arith.constant 0 : i32
      %dma_start3A_46 = tpu.memref_slice %arg4[%add3A_12, %dma_start3A_44, %dma_start3A_45] : memref<864x1x51200xf32, #tpu.memory_space<hbm>> -> memref<1x1x6400xf32, #tpu.memory_space<hbm>>
      %dma_start3A_47 = tpu.memref_squeeze %dma_start3A_46 : memref<1x1x6400xf32, #tpu.memory_space<hbm>> -> memref<1x6400xf32, #tpu.memory_space<hbm>>
      %dma_start3A_48 = arith.constant 0 : i32
      %dma_start3A_49 = arith.constant 0 : i32
      %dma_start3A_50 = tpu.memref_slice %arg4[%add3A_12, %dma_start3A_48, %dma_start3A_49] : memref<864x1x51200xf32, #tpu.memory_space<hbm>> -> memref<1x1x6400xf32, #tpu.memory_space<hbm>>
      %dma_start3A_51 = tpu.memref_squeeze %dma_start3A_50 : memref<1x1x6400xf32, #tpu.memory_space<hbm>> -> memref<1x6400xf32, #tpu.memory_space<hbm>>
      tpu.enqueue_dma source(%arg8 : memref<1x6400xf32, #tpu.memory_space<vmem>>) target(%dma_start3A_51 : memref<1x6400xf32, #tpu.memory_space<hbm>>) target_semaphore(%arg11 : memref<!tpu.dma_semaphore, #tpu.memory_space<semaphore_mem>>)
      %dma_wait3A_52 = arith.constant 0 : i32
      %dma_wait3A_53 = arith.constant 6400 : i32
      %dma_wait3A_54 = tpu.memref_slice %arg3[%shift_right_logical3A_13, %dma_wait3A_52, %dma_wait3A_53] : memref<27x1x51200xi32, #tpu.memory_space<hbm>> -> memref<1x1x6400xi32, #tpu.memory_space<hbm>>
      %dma_wait3A_55 = tpu.memref_squeeze %dma_wait3A_54 : memref<1x1x6400xi32, #tpu.memory_space<hbm>> -> memref<1x6400xi32, #tpu.memory_space<hbm>>
      %dma_wait3A_56 = arith.constant 0 : i32
      %dma_wait3A_57 = arith.constant 6400 : i32
      %dma_wait3A_58 = tpu.memref_slice %arg3[%shift_right_logical3A_13, %dma_wait3A_56, %dma_wait3A_57] : memref<27x1x51200xi32, #tpu.memory_space<hbm>> -> memref<1x1x6400xi32, #tpu.memory_space<hbm>>
      %dma_wait3A_59 = tpu.memref_squeeze %dma_wait3A_58 : memref<1x1x6400xi32, #tpu.memory_space<hbm>> -> memref<1x6400xi32, #tpu.memory_space<hbm>>
      tpu.wait_dma2 semaphore(%arg10 : memref<!tpu.dma_semaphore, #tpu.memory_space<semaphore_mem>>) src(%dma_wait3A_59 : memref<1x6400xi32, #tpu.memory_space<hbm>>) dst(%arg7 : memref<1x6400xi32, #tpu.memory_space<vmem>>)
      %dma_start3A_60 = arith.constant 0 : i32
      %dma_start3A_61 = arith.constant 12800 : i32
      %dma_start3A_62 = tpu.memref_slice %arg3[%shift_right_logical3A_13, %dma_start3A_60, %dma_start3A_61] : memref<27x1x51200xi32, #tpu.memory_space<hbm>> -> memref<1x1x6400xi32, #tpu.memory_space<hbm>>
      %dma_start3A_63 = tpu.memref_squeeze %dma_start3A_62 : memref<1x1x6400xi32, #tpu.memory_space<hbm>> -> memref<1x6400xi32, #tpu.memory_space<hbm>>
      %dma_start3A_64 = arith.constant 0 : i32
      %dma_start3A_65 = arith.constant 12800 : i32
      %dma_start3A_66 = tpu.memref_slice %arg3[%shift_right_logical3A_13, %dma_start3A_64, %dma_start3A_65] : memref<27x1x51200xi32, #tpu.memory_space<hbm>> -> memref<1x1x6400xi32, #tpu.memory_space<hbm>>
      %dma_start3A_67 = tpu.memref_squeeze %dma_start3A_66 : memref<1x1x6400xi32, #tpu.memory_space<hbm>> -> memref<1x6400xi32, #tpu.memory_space<hbm>>
      tpu.enqueue_dma source(%dma_start3A_67 : memref<1x6400xi32, #tpu.memory_space<hbm>>) target(%arg6 : memref<1x6400xi32, #tpu.memory_space<vmem>>) target_semaphore(%arg10 : memref<!tpu.dma_semaphore, #tpu.memory_space<semaphore_mem>>)
      %scan3A_68 = arith.constant 0 : i32
      %scan3A_69 = arith.constant 0 : i32
      %scan3A_70 = arith.constant 50 : i32
      %scan3A_71 = arith.addi %scan3A_69, %scan3A_70 : i32
      %scan3A_72 = arith.constant 1 : i32
      scf.for %scan3A_318 = %scan3A_69 to %scan3A_71 step %scan3A_72  : i32 {
        %mul3A_319 = arith.constant 128 : i32
        %mul3A_320 = arith.muli %scan3A_318, %mul3A_319 : i32
        %add3A_321 = arith.constant 0 : i32
        %add3A_322 = arith.addi %mul3A_320, %add3A_321 : i32
        %add3A_323 = vector.broadcast %add3A_322 : i32 to vector<16xi32>
        %add3A_324 = arith.addi %add3A_323, %iota3A : vector<16xi32>
        %gather3A = tpu.vector_load_idx %arg7[%mul3A_3, %add3A_324] : memref<1x6400xi32, #tpu.memory_space<vmem>>[vector<16xi32>, vector<16xi32>], vector<16xi32>,
        %gather3A_325 = tpu.vector_load_idx %arg5[%gather3A] : memref<100096xf32, #tpu.memory_space<vmem>>[vector<16xi32>], vector<16xf32>,
        tpu.vector_store_idx %arg9[%mul3A_3, %add3A_324], %gather3A_325 : memref<1x6400xf32, #tpu.memory_space<vmem>>[vector<16xi32>, vector<16xi32>], vector<16xf32>,
        %mul3A_326 = arith.constant 128 : i32
        %mul3A_327 = arith.muli %scan3A_318, %mul3A_326 : i32
        %add3A_328 = arith.constant 16 : i32
        %add3A_329 = arith.addi %mul3A_327, %add3A_328 : i32
        %add3A_330 = vector.broadcast %add3A_329 : i32 to vector<16xi32>
        %add3A_331 = arith.addi %add3A_330, %iota3A : vector<16xi32>
        %gather3A_332 = tpu.vector_load_idx %arg7[%mul3A_3, %add3A_331] : memref<1x6400xi32, #tpu.memory_space<vmem>>[vector<16xi32>, vector<16xi32>], vector<16xi32>,
        %gather3A_333 = tpu.vector_load_idx %arg5[%gather3A_332] : memref<100096xf32, #tpu.memory_space<vmem>>[vector<16xi32>], vector<16xf32>,
        tpu.vector_store_idx %arg9[%mul3A_3, %add3A_331], %gather3A_333 : memref<1x6400xf32, #tpu.memory_space<vmem>>[vector<16xi32>, vector<16xi32>], vector<16xf32>,
        %mul3A_334 = arith.constant 128 : i32
        %mul3A_335 = arith.muli %scan3A_318, %mul3A_334 : i32
        %add3A_336 = arith.constant 32 : i32
        %add3A_337 = arith.addi %mul3A_335, %add3A_336 : i32
        %add3A_338 = vector.broadcast %add3A_337 : i32 to vector<16xi32>
        %add3A_339 = arith.addi %add3A_338, %iota3A : vector<16xi32>
        %gather3A_340 = tpu.vector_load_idx %arg7[%mul3A_3, %add3A_339] : memref<1x6400xi32, #tpu.memory_space<vmem>>[vector<16xi32>, vector<16xi32>], vector<16xi32>,
        %gather3A_341 = tpu.vector_load_idx %arg5[%gather3A_340] : memref<100096xf32, #tpu.memory_space<vmem>>[vector<16xi32>], vector<16xf32>,
        tpu.vector_store_idx %arg9[%mul3A_3, %add3A_339], %gather3A_341 : memref<1x6400xf32, #tpu.memory_space<vmem>>[vector<16xi32>, vector<16xi32>], vector<16xf32>,
        %mul3A_342 = arith.constant 128 : i32
        %mul3A_343 = arith.muli %scan3A_318, %mul3A_342 : i32
        %add3A_344 = arith.constant 48 : i32
        %add3A_345 = arith.addi %mul3A_343, %add3A_344 : i32
        %add3A_346 = vector.broadcast %add3A_345 : i32 to vector<16xi32>
        %add3A_347 = arith.addi %add3A_346, %iota3A : vector<16xi32>
        %gather3A_348 = tpu.vector_load_idx %arg7[%mul3A_3, %add3A_347] : memref<1x6400xi32, #tpu.memory_space<vmem>>[vector<16xi32>, vector<16xi32>], vector<16xi32>,
        %gather3A_349 = tpu.vector_load_idx %arg5[%gather3A_348] : memref<100096xf32, #tpu.memory_space<vmem>>[vector<16xi32>], vector<16xf32>,
        tpu.vector_store_idx %arg9[%mul3A_3, %add3A_347], %gather3A_349 : memref<1x6400xf32, #tpu.memory_space<vmem>>[vector<16xi32>, vector<16xi32>], vector<16xf32>,
        %mul3A_350 = arith.constant 128 : i32
        %mul3A_351 = arith.muli %scan3A_318, %mul3A_350 : i32
        %add3A_352 = arith.constant 64 : i32
        %add3A_353 = arith.addi %mul3A_351, %add3A_352 : i32
        %add3A_354 = vector.broadcast %add3A_353 : i32 to vector<16xi32>
        %add3A_355 = arith.addi %add3A_354, %iota3A : vector<16xi32>
        %gather3A_356 = tpu.vector_load_idx %arg7[%mul3A_3, %add3A_355] : memref<1x6400xi32, #tpu.memory_space<vmem>>[vector<16xi32>, vector<16xi32>], vector<16xi32>,
        %gather3A_357 = tpu.vector_load_idx %arg5[%gather3A_356] : memref<100096xf32, #tpu.memory_space<vmem>>[vector<16xi32>], vector<16xf32>,
        tpu.vector_store_idx %arg9[%mul3A_3, %add3A_355], %gather3A_357 : memref<1x6400xf32, #tpu.memory_space<vmem>>[vector<16xi32>, vector<16xi32>], vector<16xf32>,
        %mul3A_358 = arith.constant 128 : i32
        %mul3A_359 = arith.muli %scan3A_318, %mul3A_358 : i32
        %add3A_360 = arith.constant 80 : i32
        %add3A_361 = arith.addi %mul3A_359, %add3A_360 : i32
        %add3A_362 = vector.broadcast %add3A_361 : i32 to vector<16xi32>
        %add3A_363 = arith.addi %add3A_362, %iota3A : vector<16xi32>
        %gather3A_364 = tpu.vector_load_idx %arg7[%mul3A_3, %add3A_363] : memref<1x6400xi32, #tpu.memory_space<vmem>>[vector<16xi32>, vector<16xi32>], vector<16xi32>,
        %gather3A_365 = tpu.vector_load_idx %arg5[%gather3A_364] : memref<100096xf32, #tpu.memory_space<vmem>>[vector<16xi32>], vector<16xf32>,
        tpu.vector_store_idx %arg9[%mul3A_3, %add3A_363], %gather3A_365 : memref<1x6400xf32, #tpu.memory_space<vmem>>[vector<16xi32>, vector<16xi32>], vector<16xf32>,
        %mul3A_366 = arith.constant 128 : i32
        %mul3A_367 = arith.muli %scan3A_318, %mul3A_366 : i32
        %add3A_368 = arith.constant 96 : i32
        %add3A_369 = arith.addi %mul3A_367, %add3A_368 : i32
        %add3A_370 = vector.broadcast %add3A_369 : i32 to vector<16xi32>
        %add3A_371 = arith.addi %add3A_370, %iota3A : vector<16xi32>
        %gather3A_372 = tpu.vector_load_idx %arg7[%mul3A_3, %add3A_371] : memref<1x6400xi32, #tpu.memory_space<vmem>>[vector<16xi32>, vector<16xi32>], vector<16xi32>,
        %gather3A_373 = tpu.vector_load_idx %arg5[%gather3A_372] : memref<100096xf32, #tpu.memory_space<vmem>>[vector<16xi32>], vector<16xf32>,
        tpu.vector_store_idx %arg9[%mul3A_3, %add3A_371], %gather3A_373 : memref<1x6400xf32, #tpu.memory_space<vmem>>[vector<16xi32>, vector<16xi32>], vector<16xf32>,
        %mul3A_374 = arith.constant 128 : i32
        %mul3A_375 = arith.muli %scan3A_318, %mul3A_374 : i32
        %add3A_376 = arith.constant 112 : i32
        %add3A_377 = arith.addi %mul3A_375, %add3A_376 : i32
        %add3A_378 = vector.broadcast %add3A_377 : i32 to vector<16xi32>
        %add3A_379 = arith.addi %add3A_378, %iota3A : vector<16xi32>
        %gather3A_380 = tpu.vector_load_idx %arg7[%mul3A_3, %add3A_379] : memref<1x6400xi32, #tpu.memory_space<vmem>>[vector<16xi32>, vector<16xi32>], vector<16xi32>,
        %gather3A_381 = tpu.vector_load_idx %arg5[%gather3A_380] : memref<100096xf32, #tpu.memory_space<vmem>>[vector<16xi32>], vector<16xf32>,
        tpu.vector_store_idx %arg9[%mul3A_3, %add3A_379], %gather3A_381 : memref<1x6400xf32, #tpu.memory_space<vmem>>[vector<16xi32>, vector<16xi32>], vector<16xf32>,
      }
      %scan3A_73 = arith.constant 50 : i32
      %dma_start3A_74 = arith.constant 0 : i32
      %dma_start3A_75 = arith.constant 6400 : i32
      %dma_start3A_76 = tpu.memref_slice %arg4[%add3A_12, %dma_start3A_74, %dma_start3A_75] : memref<864x1x51200xf32, #tpu.memory_space<hbm>> -> memref<1x1x6400xf32, #tpu.memory_space<hbm>>
      %dma_start3A_77 = tpu.memref_squeeze %dma_start3A_76 : memref<1x1x6400xf32, #tpu.memory_space<hbm>> -> memref<1x6400xf32, #tpu.memory_space<hbm>>
      %dma_start3A_78 = arith.constant 0 : i32
      %dma_start3A_79 = arith.constant 6400 : i32
      %dma_start3A_80 = tpu.memref_slice %arg4[%add3A_12, %dma_start3A_78, %dma_start3A_79] : memref<864x1x51200xf32, #tpu.memory_space<hbm>> -> memref<1x1x6400xf32, #tpu.memory_space<hbm>>
      %dma_start3A_81 = tpu.memref_squeeze %dma_start3A_80 : memref<1x1x6400xf32, #tpu.memory_space<hbm>> -> memref<1x6400xf32, #tpu.memory_space<hbm>>
      tpu.enqueue_dma source(%arg9 : memref<1x6400xf32, #tpu.memory_space<vmem>>) target(%dma_start3A_81 : memref<1x6400xf32, #tpu.memory_space<hbm>>) target_semaphore(%arg11 : memref<!tpu.dma_semaphore, #tpu.memory_space<semaphore_mem>>)
      %dma_wait3A_82 = arith.constant 0 : i32
      %dma_wait3A_83 = arith.constant 12800 : i32
      %dma_wait3A_84 = tpu.memref_slice %arg3[%shift_right_logical3A_13, %dma_wait3A_82, %dma_wait3A_83] : memref<27x1x51200xi32, #tpu.memory_space<hbm>> -> memref<1x1x6400xi32, #tpu.memory_space<hbm>>
      %dma_wait3A_85 = tpu.memref_squeeze %dma_wait3A_84 : memref<1x1x6400xi32, #tpu.memory_space<hbm>> -> memref<1x6400xi32, #tpu.memory_space<hbm>>
      %dma_wait3A_86 = arith.constant 0 : i32
      %dma_wait3A_87 = arith.constant 12800 : i32
      %dma_wait3A_88 = tpu.memref_slice %arg3[%shift_right_logical3A_13, %dma_wait3A_86, %dma_wait3A_87] : memref<27x1x51200xi32, #tpu.memory_space<hbm>> -> memref<1x1x6400xi32, #tpu.memory_space<hbm>>
      %dma_wait3A_89 = tpu.memref_squeeze %dma_wait3A_88 : memref<1x1x6400xi32, #tpu.memory_space<hbm>> -> memref<1x6400xi32, #tpu.memory_space<hbm>>
      tpu.wait_dma2 semaphore(%arg10 : memref<!tpu.dma_semaphore, #tpu.memory_space<semaphore_mem>>) src(%dma_wait3A_89 : memref<1x6400xi32, #tpu.memory_space<hbm>>) dst(%arg6 : memref<1x6400xi32, #tpu.memory_space<vmem>>)
      %dma_start3A_90 = arith.constant 0 : i32
      %dma_start3A_91 = arith.constant 19200 : i32
      %dma_start3A_92 = tpu.memref_slice %arg3[%shift_right_logical3A_13, %dma_start3A_90, %dma_start3A_91] : memref<27x1x51200xi32, #tpu.memory_space<hbm>> -> memref<1x1x6400xi32, #tpu.memory_space<hbm>>
      %dma_start3A_93 = tpu.memref_squeeze %dma_start3A_92 : memref<1x1x6400xi32, #tpu.memory_space<hbm>> -> memref<1x6400xi32, #tpu.memory_space<hbm>>
      %dma_start3A_94 = arith.constant 0 : i32
      %dma_start3A_95 = arith.constant 19200 : i32
      %dma_start3A_96 = tpu.memref_slice %arg3[%shift_right_logical3A_13, %dma_start3A_94, %dma_start3A_95] : memref<27x1x51200xi32, #tpu.memory_space<hbm>> -> memref<1x1x6400xi32, #tpu.memory_space<hbm>>
      %dma_start3A_97 = tpu.memref_squeeze %dma_start3A_96 : memref<1x1x6400xi32, #tpu.memory_space<hbm>> -> memref<1x6400xi32, #tpu.memory_space<hbm>>
      tpu.enqueue_dma source(%dma_start3A_97 : memref<1x6400xi32, #tpu.memory_space<hbm>>) target(%arg7 : memref<1x6400xi32, #tpu.memory_space<vmem>>) target_semaphore(%arg10 : memref<!tpu.dma_semaphore, #tpu.memory_space<semaphore_mem>>)
      %dma_wait3A_98 = arith.constant 0 : i32
      %dma_wait3A_99 = arith.constant 0 : i32
      %dma_wait3A_100 = tpu.memref_slice %arg4[%add3A_12, %dma_wait3A_98, %dma_wait3A_99] : memref<864x1x51200xf32, #tpu.memory_space<hbm>> -> memref<1x1x6400xf32, #tpu.memory_space<hbm>>
      %dma_wait3A_101 = tpu.memref_squeeze %dma_wait3A_100 : memref<1x1x6400xf32, #tpu.memory_space<hbm>> -> memref<1x6400xf32, #tpu.memory_space<hbm>>
      %dma_wait3A_102 = arith.constant 0 : i32
      %dma_wait3A_103 = arith.constant 0 : i32
      %dma_wait3A_104 = tpu.memref_slice %arg4[%add3A_12, %dma_wait3A_102, %dma_wait3A_103] : memref<864x1x51200xf32, #tpu.memory_space<hbm>> -> memref<1x1x6400xf32, #tpu.memory_space<hbm>>
      %dma_wait3A_105 = tpu.memref_squeeze %dma_wait3A_104 : memref<1x1x6400xf32, #tpu.memory_space<hbm>> -> memref<1x6400xf32, #tpu.memory_space<hbm>>
      tpu.wait_dma2 semaphore(%arg11 : memref<!tpu.dma_semaphore, #tpu.memory_space<semaphore_mem>>) src(%arg8 : memref<1x6400xf32, #tpu.memory_space<vmem>>) dst(%dma_wait3A_105 : memref<1x6400xf32, #tpu.memory_space<hbm>>)
      %scan3A_106 = arith.constant 0 : i32
      %scan3A_107 = arith.constant 0 : i32
      %scan3A_108 = arith.constant 50 : i32
      %scan3A_109 = arith.addi %scan3A_107, %scan3A_108 : i32
      %scan3A_110 = arith.constant 1 : i32
      scf.for %scan3A_318 = %scan3A_107 to %scan3A_109 step %scan3A_110  : i32 {
        %mul3A_319 = arith.constant 128 : i32
        %mul3A_320 = arith.muli %scan3A_318, %mul3A_319 : i32
        %add3A_321 = arith.constant 0 : i32
        %add3A_322 = arith.addi %mul3A_320, %add3A_321 : i32
        %add3A_323 = vector.broadcast %add3A_322 : i32 to vector<16xi32>
        %add3A_324 = arith.addi %add3A_323, %iota3A : vector<16xi32>
        %gather3A = tpu.vector_load_idx %arg6[%mul3A_3, %add3A_324] : memref<1x6400xi32, #tpu.memory_space<vmem>>[vector<16xi32>, vector<16xi32>], vector<16xi32>,
        %gather3A_325 = tpu.vector_load_idx %arg5[%gather3A] : memref<100096xf32, #tpu.memory_space<vmem>>[vector<16xi32>], vector<16xf32>,
        tpu.vector_store_idx %arg8[%mul3A_3, %add3A_324], %gather3A_325 : memref<1x6400xf32, #tpu.memory_space<vmem>>[vector<16xi32>, vector<16xi32>], vector<16xf32>,
        %mul3A_326 = arith.constant 128 : i32
        %mul3A_327 = arith.muli %scan3A_318, %mul3A_326 : i32
        %add3A_328 = arith.constant 16 : i32
        %add3A_329 = arith.addi %mul3A_327, %add3A_328 : i32
        %add3A_330 = vector.broadcast %add3A_329 : i32 to vector<16xi32>
        %add3A_331 = arith.addi %add3A_330, %iota3A : vector<16xi32>
        %gather3A_332 = tpu.vector_load_idx %arg6[%mul3A_3, %add3A_331] : memref<1x6400xi32, #tpu.memory_space<vmem>>[vector<16xi32>, vector<16xi32>], vector<16xi32>,
        %gather3A_333 = tpu.vector_load_idx %arg5[%gather3A_332] : memref<100096xf32, #tpu.memory_space<vmem>>[vector<16xi32>], vector<16xf32>,
        tpu.vector_store_idx %arg8[%mul3A_3, %add3A_331], %gather3A_333 : memref<1x6400xf32, #tpu.memory_space<vmem>>[vector<16xi32>, vector<16xi32>], vector<16xf32>,
        %mul3A_334 = arith.constant 128 : i32
        %mul3A_335 = arith.muli %scan3A_318, %mul3A_334 : i32
        %add3A_336 = arith.constant 32 : i32
        %add3A_337 = arith.addi %mul3A_335, %add3A_336 : i32
        %add3A_338 = vector.broadcast %add3A_337 : i32 to vector<16xi32>
        %add3A_339 = arith.addi %add3A_338, %iota3A : vector<16xi32>
        %gather3A_340 = tpu.vector_load_idx %arg6[%mul3A_3, %add3A_339] : memref<1x6400xi32, #tpu.memory_space<vmem>>[vector<16xi32>, vector<16xi32>], vector<16xi32>,
        %gather3A_341 = tpu.vector_load_idx %arg5[%gather3A_340] : memref<100096xf32, #tpu.memory_space<vmem>>[vector<16xi32>], vector<16xf32>,
        tpu.vector_store_idx %arg8[%mul3A_3, %add3A_339], %gather3A_341 : memref<1x6400xf32, #tpu.memory_space<vmem>>[vector<16xi32>, vector<16xi32>], vector<16xf32>,
        %mul3A_342 = arith.constant 128 : i32
        %mul3A_343 = arith.muli %scan3A_318, %mul3A_342 : i32
        %add3A_344 = arith.constant 48 : i32
        %add3A_345 = arith.addi %mul3A_343, %add3A_344 : i32
        %add3A_346 = vector.broadcast %add3A_345 : i32 to vector<16xi32>
        %add3A_347 = arith.addi %add3A_346, %iota3A : vector<16xi32>
        %gather3A_348 = tpu.vector_load_idx %arg6[%mul3A_3, %add3A_347] : memref<1x6400xi32, #tpu.memory_space<vmem>>[vector<16xi32>, vector<16xi32>], vector<16xi32>,
        %gather3A_349 = tpu.vector_load_idx %arg5[%gather3A_348] : memref<100096xf32, #tpu.memory_space<vmem>>[vector<16xi32>], vector<16xf32>,
        tpu.vector_store_idx %arg8[%mul3A_3, %add3A_347], %gather3A_349 : memref<1x6400xf32, #tpu.memory_space<vmem>>[vector<16xi32>, vector<16xi32>], vector<16xf32>,
        %mul3A_350 = arith.constant 128 : i32
        %mul3A_351 = arith.muli %scan3A_318, %mul3A_350 : i32
        %add3A_352 = arith.constant 64 : i32
        %add3A_353 = arith.addi %mul3A_351, %add3A_352 : i32
        %add3A_354 = vector.broadcast %add3A_353 : i32 to vector<16xi32>
        %add3A_355 = arith.addi %add3A_354, %iota3A : vector<16xi32>
        %gather3A_356 = tpu.vector_load_idx %arg6[%mul3A_3, %add3A_355] : memref<1x6400xi32, #tpu.memory_space<vmem>>[vector<16xi32>, vector<16xi32>], vector<16xi32>,
        %gather3A_357 = tpu.vector_load_idx %arg5[%gather3A_356] : memref<100096xf32, #tpu.memory_space<vmem>>[vector<16xi32>], vector<16xf32>,
        tpu.vector_store_idx %arg8[%mul3A_3, %add3A_355], %gather3A_357 : memref<1x6400xf32, #tpu.memory_space<vmem>>[vector<16xi32>, vector<16xi32>], vector<16xf32>,
        %mul3A_358 = arith.constant 128 : i32
        %mul3A_359 = arith.muli %scan3A_318, %mul3A_358 : i32
        %add3A_360 = arith.constant 80 : i32
        %add3A_361 = arith.addi %mul3A_359, %add3A_360 : i32
        %add3A_362 = vector.broadcast %add3A_361 : i32 to vector<16xi32>
        %add3A_363 = arith.addi %add3A_362, %iota3A : vector<16xi32>
        %gather3A_364 = tpu.vector_load_idx %arg6[%mul3A_3, %add3A_363] : memref<1x6400xi32, #tpu.memory_space<vmem>>[vector<16xi32>, vector<16xi32>], vector<16xi32>,
        %gather3A_365 = tpu.vector_load_idx %arg5[%gather3A_364] : memref<100096xf32, #tpu.memory_space<vmem>>[vector<16xi32>], vector<16xf32>,
        tpu.vector_store_idx %arg8[%mul3A_3, %add3A_363], %gather3A_365 : memref<1x6400xf32, #tpu.memory_space<vmem>>[vector<16xi32>, vector<16xi32>], vector<16xf32>,
        %mul3A_366 = arith.constant 128 : i32
        %mul3A_367 = arith.muli %scan3A_318, %mul3A_366 : i32
        %add3A_368 = arith.constant 96 : i32
        %add3A_369 = arith.addi %mul3A_367, %add3A_368 : i32
        %add3A_370 = vector.broadcast %add3A_369 : i32 to vector<16xi32>
        %add3A_371 = arith.addi %add3A_370, %iota3A : vector<16xi32>
        %gather3A_372 = tpu.vector_load_idx %arg6[%mul3A_3, %add3A_371] : memref<1x6400xi32, #tpu.memory_space<vmem>>[vector<16xi32>, vector<16xi32>], vector<16xi32>,
        %gather3A_373 = tpu.vector_load_idx %arg5[%gather3A_372] : memref<100096xf32, #tpu.memory_space<vmem>>[vector<16xi32>], vector<16xf32>,
        tpu.vector_store_idx %arg8[%mul3A_3, %add3A_371], %gather3A_373 : memref<1x6400xf32, #tpu.memory_space<vmem>>[vector<16xi32>, vector<16xi32>], vector<16xf32>,
        %mul3A_374 = arith.constant 128 : i32
        %mul3A_375 = arith.muli %scan3A_318, %mul3A_374 : i32
        %add3A_376 = arith.constant 112 : i32
        %add3A_377 = arith.addi %mul3A_375, %add3A_376 : i32
        %add3A_378 = vector.broadcast %add3A_377 : i32 to vector<16xi32>
        %add3A_379 = arith.addi %add3A_378, %iota3A : vector<16xi32>
        %gather3A_380 = tpu.vector_load_idx %arg6[%mul3A_3, %add3A_379] : memref<1x6400xi32, #tpu.memory_space<vmem>>[vector<16xi32>, vector<16xi32>], vector<16xi32>,
        %gather3A_381 = tpu.vector_load_idx %arg5[%gather3A_380] : memref<100096xf32, #tpu.memory_space<vmem>>[vector<16xi32>], vector<16xf32>,
        tpu.vector_store_idx %arg8[%mul3A_3, %add3A_379], %gather3A_381 : memref<1x6400xf32, #tpu.memory_space<vmem>>[vector<16xi32>, vector<16xi32>], vector<16xf32>,
      }
      %scan3A_111 = arith.constant 50 : i32
      %dma_start3A_112 = arith.constant 0 : i32
      %dma_start3A_113 = arith.constant 12800 : i32
      %dma_start3A_114 = tpu.memref_slice %arg4[%add3A_12, %dma_start3A_112, %dma_start3A_113] : memref<864x1x51200xf32, #tpu.memory_space<hbm>> -> memref<1x1x6400xf32, #tpu.memory_space<hbm>>
      %dma_start3A_115 = tpu.memref_squeeze %dma_start3A_114 : memref<1x1x6400xf32, #tpu.memory_space<hbm>> -> memref<1x6400xf32, #tpu.memory_space<hbm>>
      %dma_start3A_116 = arith.constant 0 : i32
      %dma_start3A_117 = arith.constant 12800 : i32
      %dma_start3A_118 = tpu.memref_slice %arg4[%add3A_12, %dma_start3A_116, %dma_start3A_117] : memref<864x1x51200xf32, #tpu.memory_space<hbm>> -> memref<1x1x6400xf32, #tpu.memory_space<hbm>>
      %dma_start3A_119 = tpu.memref_squeeze %dma_start3A_118 : memref<1x1x6400xf32, #tpu.memory_space<hbm>> -> memref<1x6400xf32, #tpu.memory_space<hbm>>
      tpu.enqueue_dma source(%arg8 : memref<1x6400xf32, #tpu.memory_space<vmem>>) target(%dma_start3A_119 : memref<1x6400xf32, #tpu.memory_space<hbm>>) target_semaphore(%arg11 : memref<!tpu.dma_semaphore, #tpu.memory_space<semaphore_mem>>)
      %dma_wait3A_120 = arith.constant 0 : i32
      %dma_wait3A_121 = arith.constant 19200 : i32
      %dma_wait3A_122 = tpu.memref_slice %arg3[%shift_right_logical3A_13, %dma_wait3A_120, %dma_wait3A_121] : memref<27x1x51200xi32, #tpu.memory_space<hbm>> -> memref<1x1x6400xi32, #tpu.memory_space<hbm>>
      %dma_wait3A_123 = tpu.memref_squeeze %dma_wait3A_122 : memref<1x1x6400xi32, #tpu.memory_space<hbm>> -> memref<1x6400xi32, #tpu.memory_space<hbm>>
      %dma_wait3A_124 = arith.constant 0 : i32
      %dma_wait3A_125 = arith.constant 19200 : i32
      %dma_wait3A_126 = tpu.memref_slice %arg3[%shift_right_logical3A_13, %dma_wait3A_124, %dma_wait3A_125] : memref<27x1x51200xi32, #tpu.memory_space<hbm>> -> memref<1x1x6400xi32, #tpu.memory_space<hbm>>
      %dma_wait3A_127 = tpu.memref_squeeze %dma_wait3A_126 : memref<1x1x6400xi32, #tpu.memory_space<hbm>> -> memref<1x6400xi32, #tpu.memory_space<hbm>>
      tpu.wait_dma2 semaphore(%arg10 : memref<!tpu.dma_semaphore, #tpu.memory_space<semaphore_mem>>) src(%dma_wait3A_127 : memref<1x6400xi32, #tpu.memory_space<hbm>>) dst(%arg7 : memref<1x6400xi32, #tpu.memory_space<vmem>>)
      %dma_start3A_128 = arith.constant 0 : i32
      %dma_start3A_129 = arith.constant 25600 : i32
      %dma_start3A_130 = tpu.memref_slice %arg3[%shift_right_logical3A_13, %dma_start3A_128, %dma_start3A_129] : memref<27x1x51200xi32, #tpu.memory_space<hbm>> -> memref<1x1x6400xi32, #tpu.memory_space<hbm>>
      %dma_start3A_131 = tpu.memref_squeeze %dma_start3A_130 : memref<1x1x6400xi32, #tpu.memory_space<hbm>> -> memref<1x6400xi32, #tpu.memory_space<hbm>>
      %dma_start3A_132 = arith.constant 0 : i32
      %dma_start3A_133 = arith.constant 25600 : i32
      %dma_start3A_134 = tpu.memref_slice %arg3[%shift_right_logical3A_13, %dma_start3A_132, %dma_start3A_133] : memref<27x1x51200xi32, #tpu.memory_space<hbm>> -> memref<1x1x6400xi32, #tpu.memory_space<hbm>>
      %dma_start3A_135 = tpu.memref_squeeze %dma_start3A_134 : memref<1x1x6400xi32, #tpu.memory_space<hbm>> -> memref<1x6400xi32, #tpu.memory_space<hbm>>
      tpu.enqueue_dma source(%dma_start3A_135 : memref<1x6400xi32, #tpu.memory_space<hbm>>) target(%arg6 : memref<1x6400xi32, #tpu.memory_space<vmem>>) target_semaphore(%arg10 : memref<!tpu.dma_semaphore, #tpu.memory_space<semaphore_mem>>)
      %dma_wait3A_136 = arith.constant 0 : i32
      %dma_wait3A_137 = arith.constant 6400 : i32
      %dma_wait3A_138 = tpu.memref_slice %arg4[%add3A_12, %dma_wait3A_136, %dma_wait3A_137] : memref<864x1x51200xf32, #tpu.memory_space<hbm>> -> memref<1x1x6400xf32, #tpu.memory_space<hbm>>
      %dma_wait3A_139 = tpu.memref_squeeze %dma_wait3A_138 : memref<1x1x6400xf32, #tpu.memory_space<hbm>> -> memref<1x6400xf32, #tpu.memory_space<hbm>>
      %dma_wait3A_140 = arith.constant 0 : i32
      %dma_wait3A_141 = arith.constant 6400 : i32
      %dma_wait3A_142 = tpu.memref_slice %arg4[%add3A_12, %dma_wait3A_140, %dma_wait3A_141] : memref<864x1x51200xf32, #tpu.memory_space<hbm>> -> memref<1x1x6400xf32, #tpu.memory_space<hbm>>
      %dma_wait3A_143 = tpu.memref_squeeze %dma_wait3A_142 : memref<1x1x6400xf32, #tpu.memory_space<hbm>> -> memref<1x6400xf32, #tpu.memory_space<hbm>>
      tpu.wait_dma2 semaphore(%arg11 : memref<!tpu.dma_semaphore, #tpu.memory_space<semaphore_mem>>) src(%arg9 : memref<1x6400xf32, #tpu.memory_space<vmem>>) dst(%dma_wait3A_143 : memref<1x6400xf32, #tpu.memory_space<hbm>>)
      %scan3A_144 = arith.constant 0 : i32
      %scan3A_145 = arith.constant 0 : i32
      %scan3A_146 = arith.constant 50 : i32
      %scan3A_147 = arith.addi %scan3A_145, %scan3A_146 : i32
      %scan3A_148 = arith.constant 1 : i32
      scf.for %scan3A_318 = %scan3A_145 to %scan3A_147 step %scan3A_148  : i32 {
        %mul3A_319 = arith.constant 128 : i32
        %mul3A_320 = arith.muli %scan3A_318, %mul3A_319 : i32
        %add3A_321 = arith.constant 0 : i32
        %add3A_322 = arith.addi %mul3A_320, %add3A_321 : i32
        %add3A_323 = vector.broadcast %add3A_322 : i32 to vector<16xi32>
        %add3A_324 = arith.addi %add3A_323, %iota3A : vector<16xi32>
        %gather3A = tpu.vector_load_idx %arg7[%mul3A_3, %add3A_324] : memref<1x6400xi32, #tpu.memory_space<vmem>>[vector<16xi32>, vector<16xi32>], vector<16xi32>,
        %gather3A_325 = tpu.vector_load_idx %arg5[%gather3A] : memref<100096xf32, #tpu.memory_space<vmem>>[vector<16xi32>], vector<16xf32>,
        tpu.vector_store_idx %arg9[%mul3A_3, %add3A_324], %gather3A_325 : memref<1x6400xf32, #tpu.memory_space<vmem>>[vector<16xi32>, vector<16xi32>], vector<16xf32>,
        %mul3A_326 = arith.constant 128 : i32
        %mul3A_327 = arith.muli %scan3A_318, %mul3A_326 : i32
        %add3A_328 = arith.constant 16 : i32
        %add3A_329 = arith.addi %mul3A_327, %add3A_328 : i32
        %add3A_330 = vector.broadcast %add3A_329 : i32 to vector<16xi32>
        %add3A_331 = arith.addi %add3A_330, %iota3A : vector<16xi32>
        %gather3A_332 = tpu.vector_load_idx %arg7[%mul3A_3, %add3A_331] : memref<1x6400xi32, #tpu.memory_space<vmem>>[vector<16xi32>, vector<16xi32>], vector<16xi32>,
        %gather3A_333 = tpu.vector_load_idx %arg5[%gather3A_332] : memref<100096xf32, #tpu.memory_space<vmem>>[vector<16xi32>], vector<16xf32>,
        tpu.vector_store_idx %arg9[%mul3A_3, %add3A_331], %gather3A_333 : memref<1x6400xf32, #tpu.memory_space<vmem>>[vector<16xi32>, vector<16xi32>], vector<16xf32>,
        %mul3A_334 = arith.constant 128 : i32
        %mul3A_335 = arith.muli %scan3A_318, %mul3A_334 : i32
        %add3A_336 = arith.constant 32 : i32
        %add3A_337 = arith.addi %mul3A_335, %add3A_336 : i32
        %add3A_338 = vector.broadcast %add3A_337 : i32 to vector<16xi32>
        %add3A_339 = arith.addi %add3A_338, %iota3A : vector<16xi32>
        %gather3A_340 = tpu.vector_load_idx %arg7[%mul3A_3, %add3A_339] : memref<1x6400xi32, #tpu.memory_space<vmem>>[vector<16xi32>, vector<16xi32>], vector<16xi32>,
        %gather3A_341 = tpu.vector_load_idx %arg5[%gather3A_340] : memref<100096xf32, #tpu.memory_space<vmem>>[vector<16xi32>], vector<16xf32>,
        tpu.vector_store_idx %arg9[%mul3A_3, %add3A_339], %gather3A_341 : memref<1x6400xf32, #tpu.memory_space<vmem>>[vector<16xi32>, vector<16xi32>], vector<16xf32>,
        %mul3A_342 = arith.constant 128 : i32
        %mul3A_343 = arith.muli %scan3A_318, %mul3A_342 : i32
        %add3A_344 = arith.constant 48 : i32
        %add3A_345 = arith.addi %mul3A_343, %add3A_344 : i32
        %add3A_346 = vector.broadcast %add3A_345 : i32 to vector<16xi32>
        %add3A_347 = arith.addi %add3A_346, %iota3A : vector<16xi32>
        %gather3A_348 = tpu.vector_load_idx %arg7[%mul3A_3, %add3A_347] : memref<1x6400xi32, #tpu.memory_space<vmem>>[vector<16xi32>, vector<16xi32>], vector<16xi32>,
        %gather3A_349 = tpu.vector_load_idx %arg5[%gather3A_348] : memref<100096xf32, #tpu.memory_space<vmem>>[vector<16xi32>], vector<16xf32>,
        tpu.vector_store_idx %arg9[%mul3A_3, %add3A_347], %gather3A_349 : memref<1x6400xf32, #tpu.memory_space<vmem>>[vector<16xi32>, vector<16xi32>], vector<16xf32>,
        %mul3A_350 = arith.constant 128 : i32
        %mul3A_351 = arith.muli %scan3A_318, %mul3A_350 : i32
        %add3A_352 = arith.constant 64 : i32
        %add3A_353 = arith.addi %mul3A_351, %add3A_352 : i32
        %add3A_354 = vector.broadcast %add3A_353 : i32 to vector<16xi32>
        %add3A_355 = arith.addi %add3A_354, %iota3A : vector<16xi32>
        %gather3A_356 = tpu.vector_load_idx %arg7[%mul3A_3, %add3A_355] : memref<1x6400xi32, #tpu.memory_space<vmem>>[vector<16xi32>, vector<16xi32>], vector<16xi32>,
        %gather3A_357 = tpu.vector_load_idx %arg5[%gather3A_356] : memref<100096xf32, #tpu.memory_space<vmem>>[vector<16xi32>], vector<16xf32>,
        tpu.vector_store_idx %arg9[%mul3A_3, %add3A_355], %gather3A_357 : memref<1x6400xf32, #tpu.memory_space<vmem>>[vector<16xi32>, vector<16xi32>], vector<16xf32>,
        %mul3A_358 = arith.constant 128 : i32
        %mul3A_359 = arith.muli %scan3A_318, %mul3A_358 : i32
        %add3A_360 = arith.constant 80 : i32
        %add3A_361 = arith.addi %mul3A_359, %add3A_360 : i32
        %add3A_362 = vector.broadcast %add3A_361 : i32 to vector<16xi32>
        %add3A_363 = arith.addi %add3A_362, %iota3A : vector<16xi32>
        %gather3A_364 = tpu.vector_load_idx %arg7[%mul3A_3, %add3A_363] : memref<1x6400xi32, #tpu.memory_space<vmem>>[vector<16xi32>, vector<16xi32>], vector<16xi32>,
        %gather3A_365 = tpu.vector_load_idx %arg5[%gather3A_364] : memref<100096xf32, #tpu.memory_space<vmem>>[vector<16xi32>], vector<16xf32>,
        tpu.vector_store_idx %arg9[%mul3A_3, %add3A_363], %gather3A_365 : memref<1x6400xf32, #tpu.memory_space<vmem>>[vector<16xi32>, vector<16xi32>], vector<16xf32>,
        %mul3A_366 = arith.constant 128 : i32
        %mul3A_367 = arith.muli %scan3A_318, %mul3A_366 : i32
        %add3A_368 = arith.constant 96 : i32
        %add3A_369 = arith.addi %mul3A_367, %add3A_368 : i32
        %add3A_370 = vector.broadcast %add3A_369 : i32 to vector<16xi32>
        %add3A_371 = arith.addi %add3A_370, %iota3A : vector<16xi32>
        %gather3A_372 = tpu.vector_load_idx %arg7[%mul3A_3, %add3A_371] : memref<1x6400xi32, #tpu.memory_space<vmem>>[vector<16xi32>, vector<16xi32>], vector<16xi32>,
        %gather3A_373 = tpu.vector_load_idx %arg5[%gather3A_372] : memref<100096xf32, #tpu.memory_space<vmem>>[vector<16xi32>], vector<16xf32>,
        tpu.vector_store_idx %arg9[%mul3A_3, %add3A_371], %gather3A_373 : memref<1x6400xf32, #tpu.memory_space<vmem>>[vector<16xi32>, vector<16xi32>], vector<16xf32>,
        %mul3A_374 = arith.constant 128 : i32
        %mul3A_375 = arith.muli %scan3A_318, %mul3A_374 : i32
        %add3A_376 = arith.constant 112 : i32
        %add3A_377 = arith.addi %mul3A_375, %add3A_376 : i32
        %add3A_378 = vector.broadcast %add3A_377 : i32 to vector<16xi32>
        %add3A_379 = arith.addi %add3A_378, %iota3A : vector<16xi32>
        %gather3A_380 = tpu.vector_load_idx %arg7[%mul3A_3, %add3A_379] : memref<1x6400xi32, #tpu.memory_space<vmem>>[vector<16xi32>, vector<16xi32>], vector<16xi32>,
        %gather3A_381 = tpu.vector_load_idx %arg5[%gather3A_380] : memref<100096xf32, #tpu.memory_space<vmem>>[vector<16xi32>], vector<16xf32>,
        tpu.vector_store_idx %arg9[%mul3A_3, %add3A_379], %gather3A_381 : memref<1x6400xf32, #tpu.memory_space<vmem>>[vector<16xi32>, vector<16xi32>], vector<16xf32>,
      }
      %scan3A_149 = arith.constant 50 : i32
      %dma_start3A_150 = arith.constant 0 : i32
      %dma_start3A_151 = arith.constant 19200 : i32
      %dma_start3A_152 = tpu.memref_slice %arg4[%add3A_12, %dma_start3A_150, %dma_start3A_151] : memref<864x1x51200xf32, #tpu.memory_space<hbm>> -> memref<1x1x6400xf32, #tpu.memory_space<hbm>>
      %dma_start3A_153 = tpu.memref_squeeze %dma_start3A_152 : memref<1x1x6400xf32, #tpu.memory_space<hbm>> -> memref<1x6400xf32, #tpu.memory_space<hbm>>
      %dma_start3A_154 = arith.constant 0 : i32
      %dma_start3A_155 = arith.constant 19200 : i32
      %dma_start3A_156 = tpu.memref_slice %arg4[%add3A_12, %dma_start3A_154, %dma_start3A_155] : memref<864x1x51200xf32, #tpu.memory_space<hbm>> -> memref<1x1x6400xf32, #tpu.memory_space<hbm>>
      %dma_start3A_157 = tpu.memref_squeeze %dma_start3A_156 : memref<1x1x6400xf32, #tpu.memory_space<hbm>> -> memref<1x6400xf32, #tpu.memory_space<hbm>>
      tpu.enqueue_dma source(%arg9 : memref<1x6400xf32, #tpu.memory_space<vmem>>) target(%dma_start3A_157 : memref<1x6400xf32, #tpu.memory_space<hbm>>) target_semaphore(%arg11 : memref<!tpu.dma_semaphore, #tpu.memory_space<semaphore_mem>>)
      %dma_wait3A_158 = arith.constant 0 : i32
      %dma_wait3A_159 = arith.constant 25600 : i32
      %dma_wait3A_160 = tpu.memref_slice %arg3[%shift_right_logical3A_13, %dma_wait3A_158, %dma_wait3A_159] : memref<27x1x51200xi32, #tpu.memory_space<hbm>> -> memref<1x1x6400xi32, #tpu.memory_space<hbm>>
      %dma_wait3A_161 = tpu.memref_squeeze %dma_wait3A_160 : memref<1x1x6400xi32, #tpu.memory_space<hbm>> -> memref<1x6400xi32, #tpu.memory_space<hbm>>
      %dma_wait3A_162 = arith.constant 0 : i32
      %dma_wait3A_163 = arith.constant 25600 : i32
      %dma_wait3A_164 = tpu.memref_slice %arg3[%shift_right_logical3A_13, %dma_wait3A_162, %dma_wait3A_163] : memref<27x1x51200xi32, #tpu.memory_space<hbm>> -> memref<1x1x6400xi32, #tpu.memory_space<hbm>>
      %dma_wait3A_165 = tpu.memref_squeeze %dma_wait3A_164 : memref<1x1x6400xi32, #tpu.memory_space<hbm>> -> memref<1x6400xi32, #tpu.memory_space<hbm>>
      tpu.wait_dma2 semaphore(%arg10 : memref<!tpu.dma_semaphore, #tpu.memory_space<semaphore_mem>>) src(%dma_wait3A_165 : memref<1x6400xi32, #tpu.memory_space<hbm>>) dst(%arg6 : memref<1x6400xi32, #tpu.memory_space<vmem>>)
      %dma_start3A_166 = arith.constant 0 : i32
      %dma_start3A_167 = arith.constant 32000 : i32
      %dma_start3A_168 = tpu.memref_slice %arg3[%shift_right_logical3A_13, %dma_start3A_166, %dma_start3A_167] : memref<27x1x51200xi32, #tpu.memory_space<hbm>> -> memref<1x1x6400xi32, #tpu.memory_space<hbm>>
      %dma_start3A_169 = tpu.memref_squeeze %dma_start3A_168 : memref<1x1x6400xi32, #tpu.memory_space<hbm>> -> memref<1x6400xi32, #tpu.memory_space<hbm>>
      %dma_start3A_170 = arith.constant 0 : i32
      %dma_start3A_171 = arith.constant 32000 : i32
      %dma_start3A_172 = tpu.memref_slice %arg3[%shift_right_logical3A_13, %dma_start3A_170, %dma_start3A_171] : memref<27x1x51200xi32, #tpu.memory_space<hbm>> -> memref<1x1x6400xi32, #tpu.memory_space<hbm>>
      %dma_start3A_173 = tpu.memref_squeeze %dma_start3A_172 : memref<1x1x6400xi32, #tpu.memory_space<hbm>> -> memref<1x6400xi32, #tpu.memory_space<hbm>>
      tpu.enqueue_dma source(%dma_start3A_173 : memref<1x6400xi32, #tpu.memory_space<hbm>>) target(%arg7 : memref<1x6400xi32, #tpu.memory_space<vmem>>) target_semaphore(%arg10 : memref<!tpu.dma_semaphore, #tpu.memory_space<semaphore_mem>>)
      %dma_wait3A_174 = arith.constant 0 : i32
      %dma_wait3A_175 = arith.constant 12800 : i32
      %dma_wait3A_176 = tpu.memref_slice %arg4[%add3A_12, %dma_wait3A_174, %dma_wait3A_175] : memref<864x1x51200xf32, #tpu.memory_space<hbm>> -> memref<1x1x6400xf32, #tpu.memory_space<hbm>>
      %dma_wait3A_177 = tpu.memref_squeeze %dma_wait3A_176 : memref<1x1x6400xf32, #tpu.memory_space<hbm>> -> memref<1x6400xf32, #tpu.memory_space<hbm>>
      %dma_wait3A_178 = arith.constant 0 : i32
      %dma_wait3A_179 = arith.constant 12800 : i32
      %dma_wait3A_180 = tpu.memref_slice %arg4[%add3A_12, %dma_wait3A_178, %dma_wait3A_179] : memref<864x1x51200xf32, #tpu.memory_space<hbm>> -> memref<1x1x6400xf32, #tpu.memory_space<hbm>>
      %dma_wait3A_181 = tpu.memref_squeeze %dma_wait3A_180 : memref<1x1x6400xf32, #tpu.memory_space<hbm>> -> memref<1x6400xf32, #tpu.memory_space<hbm>>
      tpu.wait_dma2 semaphore(%arg11 : memref<!tpu.dma_semaphore, #tpu.memory_space<semaphore_mem>>) src(%arg8 : memref<1x6400xf32, #tpu.memory_space<vmem>>) dst(%dma_wait3A_181 : memref<1x6400xf32, #tpu.memory_space<hbm>>)
      %scan3A_182 = arith.constant 0 : i32
      %scan3A_183 = arith.constant 0 : i32
      %scan3A_184 = arith.constant 50 : i32
      %scan3A_185 = arith.addi %scan3A_183, %scan3A_184 : i32
      %scan3A_186 = arith.constant 1 : i32
      scf.for %scan3A_318 = %scan3A_183 to %scan3A_185 step %scan3A_186  : i32 {
        %mul3A_319 = arith.constant 128 : i32
        %mul3A_320 = arith.muli %scan3A_318, %mul3A_319 : i32
        %add3A_321 = arith.constant 0 : i32
        %add3A_322 = arith.addi %mul3A_320, %add3A_321 : i32
        %add3A_323 = vector.broadcast %add3A_322 : i32 to vector<16xi32>
        %add3A_324 = arith.addi %add3A_323, %iota3A : vector<16xi32>
        %gather3A = tpu.vector_load_idx %arg6[%mul3A_3, %add3A_324] : memref<1x6400xi32, #tpu.memory_space<vmem>>[vector<16xi32>, vector<16xi32>], vector<16xi32>,
        %gather3A_325 = tpu.vector_load_idx %arg5[%gather3A] : memref<100096xf32, #tpu.memory_space<vmem>>[vector<16xi32>], vector<16xf32>,
        tpu.vector_store_idx %arg8[%mul3A_3, %add3A_324], %gather3A_325 : memref<1x6400xf32, #tpu.memory_space<vmem>>[vector<16xi32>, vector<16xi32>], vector<16xf32>,
        %mul3A_326 = arith.constant 128 : i32
        %mul3A_327 = arith.muli %scan3A_318, %mul3A_326 : i32
        %add3A_328 = arith.constant 16 : i32
        %add3A_329 = arith.addi %mul3A_327, %add3A_328 : i32
        %add3A_330 = vector.broadcast %add3A_329 : i32 to vector<16xi32>
        %add3A_331 = arith.addi %add3A_330, %iota3A : vector<16xi32>
        %gather3A_332 = tpu.vector_load_idx %arg6[%mul3A_3, %add3A_331] : memref<1x6400xi32, #tpu.memory_space<vmem>>[vector<16xi32>, vector<16xi32>], vector<16xi32>,
        %gather3A_333 = tpu.vector_load_idx %arg5[%gather3A_332] : memref<100096xf32, #tpu.memory_space<vmem>>[vector<16xi32>], vector<16xf32>,
        tpu.vector_store_idx %arg8[%mul3A_3, %add3A_331], %gather3A_333 : memref<1x6400xf32, #tpu.memory_space<vmem>>[vector<16xi32>, vector<16xi32>], vector<16xf32>,
        %mul3A_334 = arith.constant 128 : i32
        %mul3A_335 = arith.muli %scan3A_318, %mul3A_334 : i32
        %add3A_336 = arith.constant 32 : i32
        %add3A_337 = arith.addi %mul3A_335, %add3A_336 : i32
        %add3A_338 = vector.broadcast %add3A_337 : i32 to vector<16xi32>
        %add3A_339 = arith.addi %add3A_338, %iota3A : vector<16xi32>
        %gather3A_340 = tpu.vector_load_idx %arg6[%mul3A_3, %add3A_339] : memref<1x6400xi32, #tpu.memory_space<vmem>>[vector<16xi32>, vector<16xi32>], vector<16xi32>,
        %gather3A_341 = tpu.vector_load_idx %arg5[%gather3A_340] : memref<100096xf32, #tpu.memory_space<vmem>>[vector<16xi32>], vector<16xf32>,
        tpu.vector_store_idx %arg8[%mul3A_3, %add3A_339], %gather3A_341 : memref<1x6400xf32, #tpu.memory_space<vmem>>[vector<16xi32>, vector<16xi32>], vector<16xf32>,
        %mul3A_342 = arith.constant 128 : i32
        %mul3A_343 = arith.muli %scan3A_318, %mul3A_342 : i32
        %add3A_344 = arith.constant 48 : i32
        %add3A_345 = arith.addi %mul3A_343, %add3A_344 : i32
        %add3A_346 = vector.broadcast %add3A_345 : i32 to vector<16xi32>
        %add3A_347 = arith.addi %add3A_346, %iota3A : vector<16xi32>
        %gather3A_348 = tpu.vector_load_idx %arg6[%mul3A_3, %add3A_347] : memref<1x6400xi32, #tpu.memory_space<vmem>>[vector<16xi32>, vector<16xi32>], vector<16xi32>,
        %gather3A_349 = tpu.vector_load_idx %arg5[%gather3A_348] : memref<100096xf32, #tpu.memory_space<vmem>>[vector<16xi32>], vector<16xf32>,
        tpu.vector_store_idx %arg8[%mul3A_3, %add3A_347], %gather3A_349 : memref<1x6400xf32, #tpu.memory_space<vmem>>[vector<16xi32>, vector<16xi32>], vector<16xf32>,
        %mul3A_350 = arith.constant 128 : i32
        %mul3A_351 = arith.muli %scan3A_318, %mul3A_350 : i32
        %add3A_352 = arith.constant 64 : i32
        %add3A_353 = arith.addi %mul3A_351, %add3A_352 : i32
        %add3A_354 = vector.broadcast %add3A_353 : i32 to vector<16xi32>
        %add3A_355 = arith.addi %add3A_354, %iota3A : vector<16xi32>
        %gather3A_356 = tpu.vector_load_idx %arg6[%mul3A_3, %add3A_355] : memref<1x6400xi32, #tpu.memory_space<vmem>>[vector<16xi32>, vector<16xi32>], vector<16xi32>,
        %gather3A_357 = tpu.vector_load_idx %arg5[%gather3A_356] : memref<100096xf32, #tpu.memory_space<vmem>>[vector<16xi32>], vector<16xf32>,
        tpu.vector_store_idx %arg8[%mul3A_3, %add3A_355], %gather3A_357 : memref<1x6400xf32, #tpu.memory_space<vmem>>[vector<16xi32>, vector<16xi32>], vector<16xf32>,
        %mul3A_358 = arith.constant 128 : i32
        %mul3A_359 = arith.muli %scan3A_318, %mul3A_358 : i32
        %add3A_360 = arith.constant 80 : i32
        %add3A_361 = arith.addi %mul3A_359, %add3A_360 : i32
        %add3A_362 = vector.broadcast %add3A_361 : i32 to vector<16xi32>
        %add3A_363 = arith.addi %add3A_362, %iota3A : vector<16xi32>
        %gather3A_364 = tpu.vector_load_idx %arg6[%mul3A_3, %add3A_363] : memref<1x6400xi32, #tpu.memory_space<vmem>>[vector<16xi32>, vector<16xi32>], vector<16xi32>,
        %gather3A_365 = tpu.vector_load_idx %arg5[%gather3A_364] : memref<100096xf32, #tpu.memory_space<vmem>>[vector<16xi32>], vector<16xf32>,
        tpu.vector_store_idx %arg8[%mul3A_3, %add3A_363], %gather3A_365 : memref<1x6400xf32, #tpu.memory_space<vmem>>[vector<16xi32>, vector<16xi32>], vector<16xf32>,
        %mul3A_366 = arith.constant 128 : i32
        %mul3A_367 = arith.muli %scan3A_318, %mul3A_366 : i32
        %add3A_368 = arith.constant 96 : i32
        %add3A_369 = arith.addi %mul3A_367, %add3A_368 : i32
        %add3A_370 = vector.broadcast %add3A_369 : i32 to vector<16xi32>
        %add3A_371 = arith.addi %add3A_370, %iota3A : vector<16xi32>
        %gather3A_372 = tpu.vector_load_idx %arg6[%mul3A_3, %add3A_371] : memref<1x6400xi32, #tpu.memory_space<vmem>>[vector<16xi32>, vector<16xi32>], vector<16xi32>,
        %gather3A_373 = tpu.vector_load_idx %arg5[%gather3A_372] : memref<100096xf32, #tpu.memory_space<vmem>>[vector<16xi32>], vector<16xf32>,
        tpu.vector_store_idx %arg8[%mul3A_3, %add3A_371], %gather3A_373 : memref<1x6400xf32, #tpu.memory_space<vmem>>[vector<16xi32>, vector<16xi32>], vector<16xf32>,
        %mul3A_374 = arith.constant 128 : i32
        %mul3A_375 = arith.muli %scan3A_318, %mul3A_374 : i32
        %add3A_376 = arith.constant 112 : i32
        %add3A_377 = arith.addi %mul3A_375, %add3A_376 : i32
        %add3A_378 = vector.broadcast %add3A_377 : i32 to vector<16xi32>
        %add3A_379 = arith.addi %add3A_378, %iota3A : vector<16xi32>
        %gather3A_380 = tpu.vector_load_idx %arg6[%mul3A_3, %add3A_379] : memref<1x6400xi32, #tpu.memory_space<vmem>>[vector<16xi32>, vector<16xi32>], vector<16xi32>,
        %gather3A_381 = tpu.vector_load_idx %arg5[%gather3A_380] : memref<100096xf32, #tpu.memory_space<vmem>>[vector<16xi32>], vector<16xf32>,
        tpu.vector_store_idx %arg8[%mul3A_3, %add3A_379], %gather3A_381 : memref<1x6400xf32, #tpu.memory_space<vmem>>[vector<16xi32>, vector<16xi32>], vector<16xf32>,
      }
      %scan3A_187 = arith.constant 50 : i32
      %dma_start3A_188 = arith.constant 0 : i32
      %dma_start3A_189 = arith.constant 25600 : i32
      %dma_start3A_190 = tpu.memref_slice %arg4[%add3A_12, %dma_start3A_188, %dma_start3A_189] : memref<864x1x51200xf32, #tpu.memory_space<hbm>> -> memref<1x1x6400xf32, #tpu.memory_space<hbm>>
      %dma_start3A_191 = tpu.memref_squeeze %dma_start3A_190 : memref<1x1x6400xf32, #tpu.memory_space<hbm>> -> memref<1x6400xf32, #tpu.memory_space<hbm>>
      %dma_start3A_192 = arith.constant 0 : i32
      %dma_start3A_193 = arith.constant 25600 : i32
      %dma_start3A_194 = tpu.memref_slice %arg4[%add3A_12, %dma_start3A_192, %dma_start3A_193] : memref<864x1x51200xf32, #tpu.memory_space<hbm>> -> memref<1x1x6400xf32, #tpu.memory_space<hbm>>
      %dma_start3A_195 = tpu.memref_squeeze %dma_start3A_194 : memref<1x1x6400xf32, #tpu.memory_space<hbm>> -> memref<1x6400xf32, #tpu.memory_space<hbm>>
      tpu.enqueue_dma source(%arg8 : memref<1x6400xf32, #tpu.memory_space<vmem>>) target(%dma_start3A_195 : memref<1x6400xf32, #tpu.memory_space<hbm>>) target_semaphore(%arg11 : memref<!tpu.dma_semaphore, #tpu.memory_space<semaphore_mem>>)
      %dma_wait3A_196 = arith.constant 0 : i32
      %dma_wait3A_197 = arith.constant 32000 : i32
      %dma_wait3A_198 = tpu.memref_slice %arg3[%shift_right_logical3A_13, %dma_wait3A_196, %dma_wait3A_197] : memref<27x1x51200xi32, #tpu.memory_space<hbm>> -> memref<1x1x6400xi32, #tpu.memory_space<hbm>>
      %dma_wait3A_199 = tpu.memref_squeeze %dma_wait3A_198 : memref<1x1x6400xi32, #tpu.memory_space<hbm>> -> memref<1x6400xi32, #tpu.memory_space<hbm>>
      %dma_wait3A_200 = arith.constant 0 : i32
      %dma_wait3A_201 = arith.constant 32000 : i32
      %dma_wait3A_202 = tpu.memref_slice %arg3[%shift_right_logical3A_13, %dma_wait3A_200, %dma_wait3A_201] : memref<27x1x51200xi32, #tpu.memory_space<hbm>> -> memref<1x1x6400xi32, #tpu.memory_space<hbm>>
      %dma_wait3A_203 = tpu.memref_squeeze %dma_wait3A_202 : memref<1x1x6400xi32, #tpu.memory_space<hbm>> -> memref<1x6400xi32, #tpu.memory_space<hbm>>
      tpu.wait_dma2 semaphore(%arg10 : memref<!tpu.dma_semaphore, #tpu.memory_space<semaphore_mem>>) src(%dma_wait3A_203 : memref<1x6400xi32, #tpu.memory_space<hbm>>) dst(%arg7 : memref<1x6400xi32, #tpu.memory_space<vmem>>)
      %dma_start3A_204 = arith.constant 0 : i32
      %dma_start3A_205 = arith.constant 38400 : i32
      %dma_start3A_206 = tpu.memref_slice %arg3[%shift_right_logical3A_13, %dma_start3A_204, %dma_start3A_205] : memref<27x1x51200xi32, #tpu.memory_space<hbm>> -> memref<1x1x6400xi32, #tpu.memory_space<hbm>>
      %dma_start3A_207 = tpu.memref_squeeze %dma_start3A_206 : memref<1x1x6400xi32, #tpu.memory_space<hbm>> -> memref<1x6400xi32, #tpu.memory_space<hbm>>
      %dma_start3A_208 = arith.constant 0 : i32
      %dma_start3A_209 = arith.constant 38400 : i32
      %dma_start3A_210 = tpu.memref_slice %arg3[%shift_right_logical3A_13, %dma_start3A_208, %dma_start3A_209] : memref<27x1x51200xi32, #tpu.memory_space<hbm>> -> memref<1x1x6400xi32, #tpu.memory_space<hbm>>
      %dma_start3A_211 = tpu.memref_squeeze %dma_start3A_210 : memref<1x1x6400xi32, #tpu.memory_space<hbm>> -> memref<1x6400xi32, #tpu.memory_space<hbm>>
      tpu.enqueue_dma source(%dma_start3A_211 : memref<1x6400xi32, #tpu.memory_space<hbm>>) target(%arg6 : memref<1x6400xi32, #tpu.memory_space<vmem>>) target_semaphore(%arg10 : memref<!tpu.dma_semaphore, #tpu.memory_space<semaphore_mem>>)
      %dma_wait3A_212 = arith.constant 0 : i32
      %dma_wait3A_213 = arith.constant 19200 : i32
      %dma_wait3A_214 = tpu.memref_slice %arg4[%add3A_12, %dma_wait3A_212, %dma_wait3A_213] : memref<864x1x51200xf32, #tpu.memory_space<hbm>> -> memref<1x1x6400xf32, #tpu.memory_space<hbm>>
      %dma_wait3A_215 = tpu.memref_squeeze %dma_wait3A_214 : memref<1x1x6400xf32, #tpu.memory_space<hbm>> -> memref<1x6400xf32, #tpu.memory_space<hbm>>
      %dma_wait3A_216 = arith.constant 0 : i32
      %dma_wait3A_217 = arith.constant 19200 : i32
      %dma_wait3A_218 = tpu.memref_slice %arg4[%add3A_12, %dma_wait3A_216, %dma_wait3A_217] : memref<864x1x51200xf32, #tpu.memory_space<hbm>> -> memref<1x1x6400xf32, #tpu.memory_space<hbm>>
      %dma_wait3A_219 = tpu.memref_squeeze %dma_wait3A_218 : memref<1x1x6400xf32, #tpu.memory_space<hbm>> -> memref<1x6400xf32, #tpu.memory_space<hbm>>
      tpu.wait_dma2 semaphore(%arg11 : memref<!tpu.dma_semaphore, #tpu.memory_space<semaphore_mem>>) src(%arg9 : memref<1x6400xf32, #tpu.memory_space<vmem>>) dst(%dma_wait3A_219 : memref<1x6400xf32, #tpu.memory_space<hbm>>)
      %scan3A_220 = arith.constant 0 : i32
      %scan3A_221 = arith.constant 0 : i32
      %scan3A_222 = arith.constant 50 : i32
      %scan3A_223 = arith.addi %scan3A_221, %scan3A_222 : i32
      %scan3A_224 = arith.constant 1 : i32
      scf.for %scan3A_318 = %scan3A_221 to %scan3A_223 step %scan3A_224  : i32 {
        %mul3A_319 = arith.constant 128 : i32
        %mul3A_320 = arith.muli %scan3A_318, %mul3A_319 : i32
        %add3A_321 = arith.constant 0 : i32
        %add3A_322 = arith.addi %mul3A_320, %add3A_321 : i32
        %add3A_323 = vector.broadcast %add3A_322 : i32 to vector<16xi32>
        %add3A_324 = arith.addi %add3A_323, %iota3A : vector<16xi32>
        %gather3A = tpu.vector_load_idx %arg7[%mul3A_3, %add3A_324] : memref<1x6400xi32, #tpu.memory_space<vmem>>[vector<16xi32>, vector<16xi32>], vector<16xi32>,
        %gather3A_325 = tpu.vector_load_idx %arg5[%gather3A] : memref<100096xf32, #tpu.memory_space<vmem>>[vector<16xi32>], vector<16xf32>,
        tpu.vector_store_idx %arg9[%mul3A_3, %add3A_324], %gather3A_325 : memref<1x6400xf32, #tpu.memory_space<vmem>>[vector<16xi32>, vector<16xi32>], vector<16xf32>,
        %mul3A_326 = arith.constant 128 : i32
        %mul3A_327 = arith.muli %scan3A_318, %mul3A_326 : i32
        %add3A_328 = arith.constant 16 : i32
        %add3A_329 = arith.addi %mul3A_327, %add3A_328 : i32
        %add3A_330 = vector.broadcast %add3A_329 : i32 to vector<16xi32>
        %add3A_331 = arith.addi %add3A_330, %iota3A : vector<16xi32>
        %gather3A_332 = tpu.vector_load_idx %arg7[%mul3A_3, %add3A_331] : memref<1x6400xi32, #tpu.memory_space<vmem>>[vector<16xi32>, vector<16xi32>], vector<16xi32>,
        %gather3A_333 = tpu.vector_load_idx %arg5[%gather3A_332] : memref<100096xf32, #tpu.memory_space<vmem>>[vector<16xi32>], vector<16xf32>,
        tpu.vector_store_idx %arg9[%mul3A_3, %add3A_331], %gather3A_333 : memref<1x6400xf32, #tpu.memory_space<vmem>>[vector<16xi32>, vector<16xi32>], vector<16xf32>,
        %mul3A_334 = arith.constant 128 : i32
        %mul3A_335 = arith.muli %scan3A_318, %mul3A_334 : i32
        %add3A_336 = arith.constant 32 : i32
        %add3A_337 = arith.addi %mul3A_335, %add3A_336 : i32
        %add3A_338 = vector.broadcast %add3A_337 : i32 to vector<16xi32>
        %add3A_339 = arith.addi %add3A_338, %iota3A : vector<16xi32>
        %gather3A_340 = tpu.vector_load_idx %arg7[%mul3A_3, %add3A_339] : memref<1x6400xi32, #tpu.memory_space<vmem>>[vector<16xi32>, vector<16xi32>], vector<16xi32>,
        %gather3A_341 = tpu.vector_load_idx %arg5[%gather3A_340] : memref<100096xf32, #tpu.memory_space<vmem>>[vector<16xi32>], vector<16xf32>,
        tpu.vector_store_idx %arg9[%mul3A_3, %add3A_339], %gather3A_341 : memref<1x6400xf32, #tpu.memory_space<vmem>>[vector<16xi32>, vector<16xi32>], vector<16xf32>,
        %mul3A_342 = arith.constant 128 : i32
        %mul3A_343 = arith.muli %scan3A_318, %mul3A_342 : i32
        %add3A_344 = arith.constant 48 : i32
        %add3A_345 = arith.addi %mul3A_343, %add3A_344 : i32
        %add3A_346 = vector.broadcast %add3A_345 : i32 to vector<16xi32>
        %add3A_347 = arith.addi %add3A_346, %iota3A : vector<16xi32>
        %gather3A_348 = tpu.vector_load_idx %arg7[%mul3A_3, %add3A_347] : memref<1x6400xi32, #tpu.memory_space<vmem>>[vector<16xi32>, vector<16xi32>], vector<16xi32>,
        %gather3A_349 = tpu.vector_load_idx %arg5[%gather3A_348] : memref<100096xf32, #tpu.memory_space<vmem>>[vector<16xi32>], vector<16xf32>,
        tpu.vector_store_idx %arg9[%mul3A_3, %add3A_347], %gather3A_349 : memref<1x6400xf32, #tpu.memory_space<vmem>>[vector<16xi32>, vector<16xi32>], vector<16xf32>,
        %mul3A_350 = arith.constant 128 : i32
        %mul3A_351 = arith.muli %scan3A_318, %mul3A_350 : i32
        %add3A_352 = arith.constant 64 : i32
        %add3A_353 = arith.addi %mul3A_351, %add3A_352 : i32
        %add3A_354 = vector.broadcast %add3A_353 : i32 to vector<16xi32>
        %add3A_355 = arith.addi %add3A_354, %iota3A : vector<16xi32>
        %gather3A_356 = tpu.vector_load_idx %arg7[%mul3A_3, %add3A_355] : memref<1x6400xi32, #tpu.memory_space<vmem>>[vector<16xi32>, vector<16xi32>], vector<16xi32>,
        %gather3A_357 = tpu.vector_load_idx %arg5[%gather3A_356] : memref<100096xf32, #tpu.memory_space<vmem>>[vector<16xi32>], vector<16xf32>,
        tpu.vector_store_idx %arg9[%mul3A_3, %add3A_355], %gather3A_357 : memref<1x6400xf32, #tpu.memory_space<vmem>>[vector<16xi32>, vector<16xi32>], vector<16xf32>,
        %mul3A_358 = arith.constant 128 : i32
        %mul3A_359 = arith.muli %scan3A_318, %mul3A_358 : i32
        %add3A_360 = arith.constant 80 : i32
        %add3A_361 = arith.addi %mul3A_359, %add3A_360 : i32
        %add3A_362 = vector.broadcast %add3A_361 : i32 to vector<16xi32>
        %add3A_363 = arith.addi %add3A_362, %iota3A : vector<16xi32>
        %gather3A_364 = tpu.vector_load_idx %arg7[%mul3A_3, %add3A_363] : memref<1x6400xi32, #tpu.memory_space<vmem>>[vector<16xi32>, vector<16xi32>], vector<16xi32>,
        %gather3A_365 = tpu.vector_load_idx %arg5[%gather3A_364] : memref<100096xf32, #tpu.memory_space<vmem>>[vector<16xi32>], vector<16xf32>,
        tpu.vector_store_idx %arg9[%mul3A_3, %add3A_363], %gather3A_365 : memref<1x6400xf32, #tpu.memory_space<vmem>>[vector<16xi32>, vector<16xi32>], vector<16xf32>,
        %mul3A_366 = arith.constant 128 : i32
        %mul3A_367 = arith.muli %scan3A_318, %mul3A_366 : i32
        %add3A_368 = arith.constant 96 : i32
        %add3A_369 = arith.addi %mul3A_367, %add3A_368 : i32
        %add3A_370 = vector.broadcast %add3A_369 : i32 to vector<16xi32>
        %add3A_371 = arith.addi %add3A_370, %iota3A : vector<16xi32>
        %gather3A_372 = tpu.vector_load_idx %arg7[%mul3A_3, %add3A_371] : memref<1x6400xi32, #tpu.memory_space<vmem>>[vector<16xi32>, vector<16xi32>], vector<16xi32>,
        %gather3A_373 = tpu.vector_load_idx %arg5[%gather3A_372] : memref<100096xf32, #tpu.memory_space<vmem>>[vector<16xi32>], vector<16xf32>,
        tpu.vector_store_idx %arg9[%mul3A_3, %add3A_371], %gather3A_373 : memref<1x6400xf32, #tpu.memory_space<vmem>>[vector<16xi32>, vector<16xi32>], vector<16xf32>,
        %mul3A_374 = arith.constant 128 : i32
        %mul3A_375 = arith.muli %scan3A_318, %mul3A_374 : i32
        %add3A_376 = arith.constant 112 : i32
        %add3A_377 = arith.addi %mul3A_375, %add3A_376 : i32
        %add3A_378 = vector.broadcast %add3A_377 : i32 to vector<16xi32>
        %add3A_379 = arith.addi %add3A_378, %iota3A : vector<16xi32>
        %gather3A_380 = tpu.vector_load_idx %arg7[%mul3A_3, %add3A_379] : memref<1x6400xi32, #tpu.memory_space<vmem>>[vector<16xi32>, vector<16xi32>], vector<16xi32>,
        %gather3A_381 = tpu.vector_load_idx %arg5[%gather3A_380] : memref<100096xf32, #tpu.memory_space<vmem>>[vector<16xi32>], vector<16xf32>,
        tpu.vector_store_idx %arg9[%mul3A_3, %add3A_379], %gather3A_381 : memref<1x6400xf32, #tpu.memory_space<vmem>>[vector<16xi32>, vector<16xi32>], vector<16xf32>,
      }
      %scan3A_225 = arith.constant 50 : i32
      %dma_start3A_226 = arith.constant 0 : i32
      %dma_start3A_227 = arith.constant 32000 : i32
      %dma_start3A_228 = tpu.memref_slice %arg4[%add3A_12, %dma_start3A_226, %dma_start3A_227] : memref<864x1x51200xf32, #tpu.memory_space<hbm>> -> memref<1x1x6400xf32, #tpu.memory_space<hbm>>
      %dma_start3A_229 = tpu.memref_squeeze %dma_start3A_228 : memref<1x1x6400xf32, #tpu.memory_space<hbm>> -> memref<1x6400xf32, #tpu.memory_space<hbm>>
      %dma_start3A_230 = arith.constant 0 : i32
      %dma_start3A_231 = arith.constant 32000 : i32
      %dma_start3A_232 = tpu.memref_slice %arg4[%add3A_12, %dma_start3A_230, %dma_start3A_231] : memref<864x1x51200xf32, #tpu.memory_space<hbm>> -> memref<1x1x6400xf32, #tpu.memory_space<hbm>>
      %dma_start3A_233 = tpu.memref_squeeze %dma_start3A_232 : memref<1x1x6400xf32, #tpu.memory_space<hbm>> -> memref<1x6400xf32, #tpu.memory_space<hbm>>
      tpu.enqueue_dma source(%arg9 : memref<1x6400xf32, #tpu.memory_space<vmem>>) target(%dma_start3A_233 : memref<1x6400xf32, #tpu.memory_space<hbm>>) target_semaphore(%arg11 : memref<!tpu.dma_semaphore, #tpu.memory_space<semaphore_mem>>)
      %dma_wait3A_234 = arith.constant 0 : i32
      %dma_wait3A_235 = arith.constant 38400 : i32
      %dma_wait3A_236 = tpu.memref_slice %arg3[%shift_right_logical3A_13, %dma_wait3A_234, %dma_wait3A_235] : memref<27x1x51200xi32, #tpu.memory_space<hbm>> -> memref<1x1x6400xi32, #tpu.memory_space<hbm>>
      %dma_wait3A_237 = tpu.memref_squeeze %dma_wait3A_236 : memref<1x1x6400xi32, #tpu.memory_space<hbm>> -> memref<1x6400xi32, #tpu.memory_space<hbm>>
      %dma_wait3A_238 = arith.constant 0 : i32
      %dma_wait3A_239 = arith.constant 38400 : i32
      %dma_wait3A_240 = tpu.memref_slice %arg3[%shift_right_logical3A_13, %dma_wait3A_238, %dma_wait3A_239] : memref<27x1x51200xi32, #tpu.memory_space<hbm>> -> memref<1x1x6400xi32, #tpu.memory_space<hbm>>
      %dma_wait3A_241 = tpu.memref_squeeze %dma_wait3A_240 : memref<1x1x6400xi32, #tpu.memory_space<hbm>> -> memref<1x6400xi32, #tpu.memory_space<hbm>>
      tpu.wait_dma2 semaphore(%arg10 : memref<!tpu.dma_semaphore, #tpu.memory_space<semaphore_mem>>) src(%dma_wait3A_241 : memref<1x6400xi32, #tpu.memory_space<hbm>>) dst(%arg6 : memref<1x6400xi32, #tpu.memory_space<vmem>>)
      %dma_start3A_242 = arith.constant 0 : i32
      %dma_start3A_243 = arith.constant 44800 : i32
      %dma_start3A_244 = tpu.memref_slice %arg3[%shift_right_logical3A_13, %dma_start3A_242, %dma_start3A_243] : memref<27x1x51200xi32, #tpu.memory_space<hbm>> -> memref<1x1x6400xi32, #tpu.memory_space<hbm>>
      %dma_start3A_245 = tpu.memref_squeeze %dma_start3A_244 : memref<1x1x6400xi32, #tpu.memory_space<hbm>> -> memref<1x6400xi32, #tpu.memory_space<hbm>>
      %dma_start3A_246 = arith.constant 0 : i32
      %dma_start3A_247 = arith.constant 44800 : i32
      %dma_start3A_248 = tpu.memref_slice %arg3[%shift_right_logical3A_13, %dma_start3A_246, %dma_start3A_247] : memref<27x1x51200xi32, #tpu.memory_space<hbm>> -> memref<1x1x6400xi32, #tpu.memory_space<hbm>>
      %dma_start3A_249 = tpu.memref_squeeze %dma_start3A_248 : memref<1x1x6400xi32, #tpu.memory_space<hbm>> -> memref<1x6400xi32, #tpu.memory_space<hbm>>
      tpu.enqueue_dma source(%dma_start3A_249 : memref<1x6400xi32, #tpu.memory_space<hbm>>) target(%arg7 : memref<1x6400xi32, #tpu.memory_space<vmem>>) target_semaphore(%arg10 : memref<!tpu.dma_semaphore, #tpu.memory_space<semaphore_mem>>)
      %dma_wait3A_250 = arith.constant 0 : i32
      %dma_wait3A_251 = arith.constant 25600 : i32
      %dma_wait3A_252 = tpu.memref_slice %arg4[%add3A_12, %dma_wait3A_250, %dma_wait3A_251] : memref<864x1x51200xf32, #tpu.memory_space<hbm>> -> memref<1x1x6400xf32, #tpu.memory_space<hbm>>
      %dma_wait3A_253 = tpu.memref_squeeze %dma_wait3A_252 : memref<1x1x6400xf32, #tpu.memory_space<hbm>> -> memref<1x6400xf32, #tpu.memory_space<hbm>>
      %dma_wait3A_254 = arith.constant 0 : i32
      %dma_wait3A_255 = arith.constant 25600 : i32
      %dma_wait3A_256 = tpu.memref_slice %arg4[%add3A_12, %dma_wait3A_254, %dma_wait3A_255] : memref<864x1x51200xf32, #tpu.memory_space<hbm>> -> memref<1x1x6400xf32, #tpu.memory_space<hbm>>
      %dma_wait3A_257 = tpu.memref_squeeze %dma_wait3A_256 : memref<1x1x6400xf32, #tpu.memory_space<hbm>> -> memref<1x6400xf32, #tpu.memory_space<hbm>>
      tpu.wait_dma2 semaphore(%arg11 : memref<!tpu.dma_semaphore, #tpu.memory_space<semaphore_mem>>) src(%arg8 : memref<1x6400xf32, #tpu.memory_space<vmem>>) dst(%dma_wait3A_257 : memref<1x6400xf32, #tpu.memory_space<hbm>>)
      %scan3A_258 = arith.constant 0 : i32
      %scan3A_259 = arith.constant 0 : i32
      %scan3A_260 = arith.constant 50 : i32
      %scan3A_261 = arith.addi %scan3A_259, %scan3A_260 : i32
      %scan3A_262 = arith.constant 1 : i32
      scf.for %scan3A_318 = %scan3A_259 to %scan3A_261 step %scan3A_262  : i32 {
        %mul3A_319 = arith.constant 128 : i32
        %mul3A_320 = arith.muli %scan3A_318, %mul3A_319 : i32
        %add3A_321 = arith.constant 0 : i32
        %add3A_322 = arith.addi %mul3A_320, %add3A_321 : i32
        %add3A_323 = vector.broadcast %add3A_322 : i32 to vector<16xi32>
        %add3A_324 = arith.addi %add3A_323, %iota3A : vector<16xi32>
        %gather3A = tpu.vector_load_idx %arg6[%mul3A_3, %add3A_324] : memref<1x6400xi32, #tpu.memory_space<vmem>>[vector<16xi32>, vector<16xi32>], vector<16xi32>,
        %gather3A_325 = tpu.vector_load_idx %arg5[%gather3A] : memref<100096xf32, #tpu.memory_space<vmem>>[vector<16xi32>], vector<16xf32>,
        tpu.vector_store_idx %arg8[%mul3A_3, %add3A_324], %gather3A_325 : memref<1x6400xf32, #tpu.memory_space<vmem>>[vector<16xi32>, vector<16xi32>], vector<16xf32>,
        %mul3A_326 = arith.constant 128 : i32
        %mul3A_327 = arith.muli %scan3A_318, %mul3A_326 : i32
        %add3A_328 = arith.constant 16 : i32
        %add3A_329 = arith.addi %mul3A_327, %add3A_328 : i32
        %add3A_330 = vector.broadcast %add3A_329 : i32 to vector<16xi32>
        %add3A_331 = arith.addi %add3A_330, %iota3A : vector<16xi32>
        %gather3A_332 = tpu.vector_load_idx %arg6[%mul3A_3, %add3A_331] : memref<1x6400xi32, #tpu.memory_space<vmem>>[vector<16xi32>, vector<16xi32>], vector<16xi32>,
        %gather3A_333 = tpu.vector_load_idx %arg5[%gather3A_332] : memref<100096xf32, #tpu.memory_space<vmem>>[vector<16xi32>], vector<16xf32>,
        tpu.vector_store_idx %arg8[%mul3A_3, %add3A_331], %gather3A_333 : memref<1x6400xf32, #tpu.memory_space<vmem>>[vector<16xi32>, vector<16xi32>], vector<16xf32>,
        %mul3A_334 = arith.constant 128 : i32
        %mul3A_335 = arith.muli %scan3A_318, %mul3A_334 : i32
        %add3A_336 = arith.constant 32 : i32
        %add3A_337 = arith.addi %mul3A_335, %add3A_336 : i32
        %add3A_338 = vector.broadcast %add3A_337 : i32 to vector<16xi32>
        %add3A_339 = arith.addi %add3A_338, %iota3A : vector<16xi32>
        %gather3A_340 = tpu.vector_load_idx %arg6[%mul3A_3, %add3A_339] : memref<1x6400xi32, #tpu.memory_space<vmem>>[vector<16xi32>, vector<16xi32>], vector<16xi32>,
        %gather3A_341 = tpu.vector_load_idx %arg5[%gather3A_340] : memref<100096xf32, #tpu.memory_space<vmem>>[vector<16xi32>], vector<16xf32>,
        tpu.vector_store_idx %arg8[%mul3A_3, %add3A_339], %gather3A_341 : memref<1x6400xf32, #tpu.memory_space<vmem>>[vector<16xi32>, vector<16xi32>], vector<16xf32>,
        %mul3A_342 = arith.constant 128 : i32
        %mul3A_343 = arith.muli %scan3A_318, %mul3A_342 : i32
        %add3A_344 = arith.constant 48 : i32
        %add3A_345 = arith.addi %mul3A_343, %add3A_344 : i32
        %add3A_346 = vector.broadcast %add3A_345 : i32 to vector<16xi32>
        %add3A_347 = arith.addi %add3A_346, %iota3A : vector<16xi32>
        %gather3A_348 = tpu.vector_load_idx %arg6[%mul3A_3, %add3A_347] : memref<1x6400xi32, #tpu.memory_space<vmem>>[vector<16xi32>, vector<16xi32>], vector<16xi32>,
        %gather3A_349 = tpu.vector_load_idx %arg5[%gather3A_348] : memref<100096xf32, #tpu.memory_space<vmem>>[vector<16xi32>], vector<16xf32>,
        tpu.vector_store_idx %arg8[%mul3A_3, %add3A_347], %gather3A_349 : memref<1x6400xf32, #tpu.memory_space<vmem>>[vector<16xi32>, vector<16xi32>], vector<16xf32>,
        %mul3A_350 = arith.constant 128 : i32
        %mul3A_351 = arith.muli %scan3A_318, %mul3A_350 : i32
        %add3A_352 = arith.constant 64 : i32
        %add3A_353 = arith.addi %mul3A_351, %add3A_352 : i32
        %add3A_354 = vector.broadcast %add3A_353 : i32 to vector<16xi32>
        %add3A_355 = arith.addi %add3A_354, %iota3A : vector<16xi32>
        %gather3A_356 = tpu.vector_load_idx %arg6[%mul3A_3, %add3A_355] : memref<1x6400xi32, #tpu.memory_space<vmem>>[vector<16xi32>, vector<16xi32>], vector<16xi32>,
        %gather3A_357 = tpu.vector_load_idx %arg5[%gather3A_356] : memref<100096xf32, #tpu.memory_space<vmem>>[vector<16xi32>], vector<16xf32>,
        tpu.vector_store_idx %arg8[%mul3A_3, %add3A_355], %gather3A_357 : memref<1x6400xf32, #tpu.memory_space<vmem>>[vector<16xi32>, vector<16xi32>], vector<16xf32>,
        %mul3A_358 = arith.constant 128 : i32
        %mul3A_359 = arith.muli %scan3A_318, %mul3A_358 : i32
        %add3A_360 = arith.constant 80 : i32
        %add3A_361 = arith.addi %mul3A_359, %add3A_360 : i32
        %add3A_362 = vector.broadcast %add3A_361 : i32 to vector<16xi32>
        %add3A_363 = arith.addi %add3A_362, %iota3A : vector<16xi32>
        %gather3A_364 = tpu.vector_load_idx %arg6[%mul3A_3, %add3A_363] : memref<1x6400xi32, #tpu.memory_space<vmem>>[vector<16xi32>, vector<16xi32>], vector<16xi32>,
        %gather3A_365 = tpu.vector_load_idx %arg5[%gather3A_364] : memref<100096xf32, #tpu.memory_space<vmem>>[vector<16xi32>], vector<16xf32>,
        tpu.vector_store_idx %arg8[%mul3A_3, %add3A_363], %gather3A_365 : memref<1x6400xf32, #tpu.memory_space<vmem>>[vector<16xi32>, vector<16xi32>], vector<16xf32>,
        %mul3A_366 = arith.constant 128 : i32
        %mul3A_367 = arith.muli %scan3A_318, %mul3A_366 : i32
        %add3A_368 = arith.constant 96 : i32
        %add3A_369 = arith.addi %mul3A_367, %add3A_368 : i32
        %add3A_370 = vector.broadcast %add3A_369 : i32 to vector<16xi32>
        %add3A_371 = arith.addi %add3A_370, %iota3A : vector<16xi32>
        %gather3A_372 = tpu.vector_load_idx %arg6[%mul3A_3, %add3A_371] : memref<1x6400xi32, #tpu.memory_space<vmem>>[vector<16xi32>, vector<16xi32>], vector<16xi32>,
        %gather3A_373 = tpu.vector_load_idx %arg5[%gather3A_372] : memref<100096xf32, #tpu.memory_space<vmem>>[vector<16xi32>], vector<16xf32>,
        tpu.vector_store_idx %arg8[%mul3A_3, %add3A_371], %gather3A_373 : memref<1x6400xf32, #tpu.memory_space<vmem>>[vector<16xi32>, vector<16xi32>], vector<16xf32>,
        %mul3A_374 = arith.constant 128 : i32
        %mul3A_375 = arith.muli %scan3A_318, %mul3A_374 : i32
        %add3A_376 = arith.constant 112 : i32
        %add3A_377 = arith.addi %mul3A_375, %add3A_376 : i32
        %add3A_378 = vector.broadcast %add3A_377 : i32 to vector<16xi32>
        %add3A_379 = arith.addi %add3A_378, %iota3A : vector<16xi32>
        %gather3A_380 = tpu.vector_load_idx %arg6[%mul3A_3, %add3A_379] : memref<1x6400xi32, #tpu.memory_space<vmem>>[vector<16xi32>, vector<16xi32>], vector<16xi32>,
        %gather3A_381 = tpu.vector_load_idx %arg5[%gather3A_380] : memref<100096xf32, #tpu.memory_space<vmem>>[vector<16xi32>], vector<16xf32>,
        tpu.vector_store_idx %arg8[%mul3A_3, %add3A_379], %gather3A_381 : memref<1x6400xf32, #tpu.memory_space<vmem>>[vector<16xi32>, vector<16xi32>], vector<16xf32>,
      }
      %scan3A_263 = arith.constant 50 : i32
      %dma_start3A_264 = arith.constant 0 : i32
      %dma_start3A_265 = arith.constant 38400 : i32
      %dma_start3A_266 = tpu.memref_slice %arg4[%add3A_12, %dma_start3A_264, %dma_start3A_265] : memref<864x1x51200xf32, #tpu.memory_space<hbm>> -> memref<1x1x6400xf32, #tpu.memory_space<hbm>>
      %dma_start3A_267 = tpu.memref_squeeze %dma_start3A_266 : memref<1x1x6400xf32, #tpu.memory_space<hbm>> -> memref<1x6400xf32, #tpu.memory_space<hbm>>
      %dma_start3A_268 = arith.constant 0 : i32
      %dma_start3A_269 = arith.constant 38400 : i32
      %dma_start3A_270 = tpu.memref_slice %arg4[%add3A_12, %dma_start3A_268, %dma_start3A_269] : memref<864x1x51200xf32, #tpu.memory_space<hbm>> -> memref<1x1x6400xf32, #tpu.memory_space<hbm>>
      %dma_start3A_271 = tpu.memref_squeeze %dma_start3A_270 : memref<1x1x6400xf32, #tpu.memory_space<hbm>> -> memref<1x6400xf32, #tpu.memory_space<hbm>>
      tpu.enqueue_dma source(%arg8 : memref<1x6400xf32, #tpu.memory_space<vmem>>) target(%dma_start3A_271 : memref<1x6400xf32, #tpu.memory_space<hbm>>) target_semaphore(%arg11 : memref<!tpu.dma_semaphore, #tpu.memory_space<semaphore_mem>>)
      %dma_wait3A_272 = arith.constant 0 : i32
      %dma_wait3A_273 = arith.constant 44800 : i32
      %dma_wait3A_274 = tpu.memref_slice %arg3[%shift_right_logical3A_13, %dma_wait3A_272, %dma_wait3A_273] : memref<27x1x51200xi32, #tpu.memory_space<hbm>> -> memref<1x1x6400xi32, #tpu.memory_space<hbm>>
      %dma_wait3A_275 = tpu.memref_squeeze %dma_wait3A_274 : memref<1x1x6400xi32, #tpu.memory_space<hbm>> -> memref<1x6400xi32, #tpu.memory_space<hbm>>
      %dma_wait3A_276 = arith.constant 0 : i32
      %dma_wait3A_277 = arith.constant 44800 : i32
      %dma_wait3A_278 = tpu.memref_slice %arg3[%shift_right_logical3A_13, %dma_wait3A_276, %dma_wait3A_277] : memref<27x1x51200xi32, #tpu.memory_space<hbm>> -> memref<1x1x6400xi32, #tpu.memory_space<hbm>>
      %dma_wait3A_279 = tpu.memref_squeeze %dma_wait3A_278 : memref<1x1x6400xi32, #tpu.memory_space<hbm>> -> memref<1x6400xi32, #tpu.memory_space<hbm>>
      tpu.wait_dma2 semaphore(%arg10 : memref<!tpu.dma_semaphore, #tpu.memory_space<semaphore_mem>>) src(%dma_wait3A_279 : memref<1x6400xi32, #tpu.memory_space<hbm>>) dst(%arg7 : memref<1x6400xi32, #tpu.memory_space<vmem>>)
      %dma_wait3A_280 = arith.constant 0 : i32
      %dma_wait3A_281 = arith.constant 32000 : i32
      %dma_wait3A_282 = tpu.memref_slice %arg4[%add3A_12, %dma_wait3A_280, %dma_wait3A_281] : memref<864x1x51200xf32, #tpu.memory_space<hbm>> -> memref<1x1x6400xf32, #tpu.memory_space<hbm>>
      %dma_wait3A_283 = tpu.memref_squeeze %dma_wait3A_282 : memref<1x1x6400xf32, #tpu.memory_space<hbm>> -> memref<1x6400xf32, #tpu.memory_space<hbm>>
      %dma_wait3A_284 = arith.constant 0 : i32
      %dma_wait3A_285 = arith.constant 32000 : i32
      %dma_wait3A_286 = tpu.memref_slice %arg4[%add3A_12, %dma_wait3A_284, %dma_wait3A_285] : memref<864x1x51200xf32, #tpu.memory_space<hbm>> -> memref<1x1x6400xf32, #tpu.memory_space<hbm>>
      %dma_wait3A_287 = tpu.memref_squeeze %dma_wait3A_286 : memref<1x1x6400xf32, #tpu.memory_space<hbm>> -> memref<1x6400xf32, #tpu.memory_space<hbm>>
      tpu.wait_dma2 semaphore(%arg11 : memref<!tpu.dma_semaphore, #tpu.memory_space<semaphore_mem>>) src(%arg9 : memref<1x6400xf32, #tpu.memory_space<vmem>>) dst(%dma_wait3A_287 : memref<1x6400xf32, #tpu.memory_space<hbm>>)
      %scan3A_288 = arith.constant 0 : i32
      %scan3A_289 = arith.constant 0 : i32
      %scan3A_290 = arith.constant 50 : i32
      %scan3A_291 = arith.addi %scan3A_289, %scan3A_290 : i32
      %scan3A_292 = arith.constant 1 : i32
      scf.for %scan3A_318 = %scan3A_289 to %scan3A_291 step %scan3A_292  : i32 {
        %mul3A_319 = arith.constant 128 : i32
        %mul3A_320 = arith.muli %scan3A_318, %mul3A_319 : i32
        %add3A_321 = arith.constant 0 : i32
        %add3A_322 = arith.addi %mul3A_320, %add3A_321 : i32
        %add3A_323 = vector.broadcast %add3A_322 : i32 to vector<16xi32>
        %add3A_324 = arith.addi %add3A_323, %iota3A : vector<16xi32>
        %gather3A = tpu.vector_load_idx %arg7[%mul3A_3, %add3A_324] : memref<1x6400xi32, #tpu.memory_space<vmem>>[vector<16xi32>, vector<16xi32>], vector<16xi32>,
        %gather3A_325 = tpu.vector_load_idx %arg5[%gather3A] : memref<100096xf32, #tpu.memory_space<vmem>>[vector<16xi32>], vector<16xf32>,
        tpu.vector_store_idx %arg9[%mul3A_3, %add3A_324], %gather3A_325 : memref<1x6400xf32, #tpu.memory_space<vmem>>[vector<16xi32>, vector<16xi32>], vector<16xf32>,
        %mul3A_326 = arith.constant 128 : i32
        %mul3A_327 = arith.muli %scan3A_318, %mul3A_326 : i32
        %add3A_328 = arith.constant 16 : i32
        %add3A_329 = arith.addi %mul3A_327, %add3A_328 : i32
        %add3A_330 = vector.broadcast %add3A_329 : i32 to vector<16xi32>
        %add3A_331 = arith.addi %add3A_330, %iota3A : vector<16xi32>
        %gather3A_332 = tpu.vector_load_idx %arg7[%mul3A_3, %add3A_331] : memref<1x6400xi32, #tpu.memory_space<vmem>>[vector<16xi32>, vector<16xi32>], vector<16xi32>,
        %gather3A_333 = tpu.vector_load_idx %arg5[%gather3A_332] : memref<100096xf32, #tpu.memory_space<vmem>>[vector<16xi32>], vector<16xf32>,
        tpu.vector_store_idx %arg9[%mul3A_3, %add3A_331], %gather3A_333 : memref<1x6400xf32, #tpu.memory_space<vmem>>[vector<16xi32>, vector<16xi32>], vector<16xf32>,
        %mul3A_334 = arith.constant 128 : i32
        %mul3A_335 = arith.muli %scan3A_318, %mul3A_334 : i32
        %add3A_336 = arith.constant 32 : i32
        %add3A_337 = arith.addi %mul3A_335, %add3A_336 : i32
        %add3A_338 = vector.broadcast %add3A_337 : i32 to vector<16xi32>
        %add3A_339 = arith.addi %add3A_338, %iota3A : vector<16xi32>
        %gather3A_340 = tpu.vector_load_idx %arg7[%mul3A_3, %add3A_339] : memref<1x6400xi32, #tpu.memory_space<vmem>>[vector<16xi32>, vector<16xi32>], vector<16xi32>,
        %gather3A_341 = tpu.vector_load_idx %arg5[%gather3A_340] : memref<100096xf32, #tpu.memory_space<vmem>>[vector<16xi32>], vector<16xf32>,
        tpu.vector_store_idx %arg9[%mul3A_3, %add3A_339], %gather3A_341 : memref<1x6400xf32, #tpu.memory_space<vmem>>[vector<16xi32>, vector<16xi32>], vector<16xf32>,
        %mul3A_342 = arith.constant 128 : i32
        %mul3A_343 = arith.muli %scan3A_318, %mul3A_342 : i32
        %add3A_344 = arith.constant 48 : i32
        %add3A_345 = arith.addi %mul3A_343, %add3A_344 : i32
        %add3A_346 = vector.broadcast %add3A_345 : i32 to vector<16xi32>
        %add3A_347 = arith.addi %add3A_346, %iota3A : vector<16xi32>
        %gather3A_348 = tpu.vector_load_idx %arg7[%mul3A_3, %add3A_347] : memref<1x6400xi32, #tpu.memory_space<vmem>>[vector<16xi32>, vector<16xi32>], vector<16xi32>,
        %gather3A_349 = tpu.vector_load_idx %arg5[%gather3A_348] : memref<100096xf32, #tpu.memory_space<vmem>>[vector<16xi32>], vector<16xf32>,
        tpu.vector_store_idx %arg9[%mul3A_3, %add3A_347], %gather3A_349 : memref<1x6400xf32, #tpu.memory_space<vmem>>[vector<16xi32>, vector<16xi32>], vector<16xf32>,
        %mul3A_350 = arith.constant 128 : i32
        %mul3A_351 = arith.muli %scan3A_318, %mul3A_350 : i32
        %add3A_352 = arith.constant 64 : i32
        %add3A_353 = arith.addi %mul3A_351, %add3A_352 : i32
        %add3A_354 = vector.broadcast %add3A_353 : i32 to vector<16xi32>
        %add3A_355 = arith.addi %add3A_354, %iota3A : vector<16xi32>
        %gather3A_356 = tpu.vector_load_idx %arg7[%mul3A_3, %add3A_355] : memref<1x6400xi32, #tpu.memory_space<vmem>>[vector<16xi32>, vector<16xi32>], vector<16xi32>,
        %gather3A_357 = tpu.vector_load_idx %arg5[%gather3A_356] : memref<100096xf32, #tpu.memory_space<vmem>>[vector<16xi32>], vector<16xf32>,
        tpu.vector_store_idx %arg9[%mul3A_3, %add3A_355], %gather3A_357 : memref<1x6400xf32, #tpu.memory_space<vmem>>[vector<16xi32>, vector<16xi32>], vector<16xf32>,
        %mul3A_358 = arith.constant 128 : i32
        %mul3A_359 = arith.muli %scan3A_318, %mul3A_358 : i32
        %add3A_360 = arith.constant 80 : i32
        %add3A_361 = arith.addi %mul3A_359, %add3A_360 : i32
        %add3A_362 = vector.broadcast %add3A_361 : i32 to vector<16xi32>
        %add3A_363 = arith.addi %add3A_362, %iota3A : vector<16xi32>
        %gather3A_364 = tpu.vector_load_idx %arg7[%mul3A_3, %add3A_363] : memref<1x6400xi32, #tpu.memory_space<vmem>>[vector<16xi32>, vector<16xi32>], vector<16xi32>,
        %gather3A_365 = tpu.vector_load_idx %arg5[%gather3A_364] : memref<100096xf32, #tpu.memory_space<vmem>>[vector<16xi32>], vector<16xf32>,
        tpu.vector_store_idx %arg9[%mul3A_3, %add3A_363], %gather3A_365 : memref<1x6400xf32, #tpu.memory_space<vmem>>[vector<16xi32>, vector<16xi32>], vector<16xf32>,
        %mul3A_366 = arith.constant 128 : i32
        %mul3A_367 = arith.muli %scan3A_318, %mul3A_366 : i32
        %add3A_368 = arith.constant 96 : i32
        %add3A_369 = arith.addi %mul3A_367, %add3A_368 : i32
        %add3A_370 = vector.broadcast %add3A_369 : i32 to vector<16xi32>
        %add3A_371 = arith.addi %add3A_370, %iota3A : vector<16xi32>
        %gather3A_372 = tpu.vector_load_idx %arg7[%mul3A_3, %add3A_371] : memref<1x6400xi32, #tpu.memory_space<vmem>>[vector<16xi32>, vector<16xi32>], vector<16xi32>,
        %gather3A_373 = tpu.vector_load_idx %arg5[%gather3A_372] : memref<100096xf32, #tpu.memory_space<vmem>>[vector<16xi32>], vector<16xf32>,
        tpu.vector_store_idx %arg9[%mul3A_3, %add3A_371], %gather3A_373 : memref<1x6400xf32, #tpu.memory_space<vmem>>[vector<16xi32>, vector<16xi32>], vector<16xf32>,
        %mul3A_374 = arith.constant 128 : i32
        %mul3A_375 = arith.muli %scan3A_318, %mul3A_374 : i32
        %add3A_376 = arith.constant 112 : i32
        %add3A_377 = arith.addi %mul3A_375, %add3A_376 : i32
        %add3A_378 = vector.broadcast %add3A_377 : i32 to vector<16xi32>
        %add3A_379 = arith.addi %add3A_378, %iota3A : vector<16xi32>
        %gather3A_380 = tpu.vector_load_idx %arg7[%mul3A_3, %add3A_379] : memref<1x6400xi32, #tpu.memory_space<vmem>>[vector<16xi32>, vector<16xi32>], vector<16xi32>,
        %gather3A_381 = tpu.vector_load_idx %arg5[%gather3A_380] : memref<100096xf32, #tpu.memory_space<vmem>>[vector<16xi32>], vector<16xf32>,
        tpu.vector_store_idx %arg9[%mul3A_3, %add3A_379], %gather3A_381 : memref<1x6400xf32, #tpu.memory_space<vmem>>[vector<16xi32>, vector<16xi32>], vector<16xf32>,
      }
      %scan3A_293 = arith.constant 50 : i32
      %dma_start3A_294 = arith.constant 0 : i32
      %dma_start3A_295 = arith.constant 44800 : i32
      %dma_start3A_296 = tpu.memref_slice %arg4[%add3A_12, %dma_start3A_294, %dma_start3A_295] : memref<864x1x51200xf32, #tpu.memory_space<hbm>> -> memref<1x1x6400xf32, #tpu.memory_space<hbm>>
      %dma_start3A_297 = tpu.memref_squeeze %dma_start3A_296 : memref<1x1x6400xf32, #tpu.memory_space<hbm>> -> memref<1x6400xf32, #tpu.memory_space<hbm>>
      %dma_start3A_298 = arith.constant 0 : i32
      %dma_start3A_299 = arith.constant 44800 : i32
      %dma_start3A_300 = tpu.memref_slice %arg4[%add3A_12, %dma_start3A_298, %dma_start3A_299] : memref<864x1x51200xf32, #tpu.memory_space<hbm>> -> memref<1x1x6400xf32, #tpu.memory_space<hbm>>
      %dma_start3A_301 = tpu.memref_squeeze %dma_start3A_300 : memref<1x1x6400xf32, #tpu.memory_space<hbm>> -> memref<1x6400xf32, #tpu.memory_space<hbm>>
      tpu.enqueue_dma source(%arg9 : memref<1x6400xf32, #tpu.memory_space<vmem>>) target(%dma_start3A_301 : memref<1x6400xf32, #tpu.memory_space<hbm>>) target_semaphore(%arg11 : memref<!tpu.dma_semaphore, #tpu.memory_space<semaphore_mem>>)
      %dma_wait3A_302 = arith.constant 0 : i32
      %dma_wait3A_303 = arith.constant 38400 : i32
      %dma_wait3A_304 = tpu.memref_slice %arg4[%add3A_12, %dma_wait3A_302, %dma_wait3A_303] : memref<864x1x51200xf32, #tpu.memory_space<hbm>> -> memref<1x1x6400xf32, #tpu.memory_space<hbm>>
      %dma_wait3A_305 = tpu.memref_squeeze %dma_wait3A_304 : memref<1x1x6400xf32, #tpu.memory_space<hbm>> -> memref<1x6400xf32, #tpu.memory_space<hbm>>
      %dma_wait3A_306 = arith.constant 0 : i32
      %dma_wait3A_307 = arith.constant 38400 : i32
      %dma_wait3A_308 = tpu.memref_slice %arg4[%add3A_12, %dma_wait3A_306, %dma_wait3A_307] : memref<864x1x51200xf32, #tpu.memory_space<hbm>> -> memref<1x1x6400xf32, #tpu.memory_space<hbm>>
      %dma_wait3A_309 = tpu.memref_squeeze %dma_wait3A_308 : memref<1x1x6400xf32, #tpu.memory_space<hbm>> -> memref<1x6400xf32, #tpu.memory_space<hbm>>
      tpu.wait_dma2 semaphore(%arg11 : memref<!tpu.dma_semaphore, #tpu.memory_space<semaphore_mem>>) src(%arg8 : memref<1x6400xf32, #tpu.memory_space<vmem>>) dst(%dma_wait3A_309 : memref<1x6400xf32, #tpu.memory_space<hbm>>)
      %dma_wait3A_310 = arith.constant 0 : i32
      %dma_wait3A_311 = arith.constant 44800 : i32
      %dma_wait3A_312 = tpu.memref_slice %arg4[%add3A_12, %dma_wait3A_310, %dma_wait3A_311] : memref<864x1x51200xf32, #tpu.memory_space<hbm>> -> memref<1x1x6400xf32, #tpu.memory_space<hbm>>
      %dma_wait3A_313 = tpu.memref_squeeze %dma_wait3A_312 : memref<1x1x6400xf32, #tpu.memory_space<hbm>> -> memref<1x6400xf32, #tpu.memory_space<hbm>>
      %dma_wait3A_314 = arith.constant 0 : i32
      %dma_wait3A_315 = arith.constant 44800 : i32
      %dma_wait3A_316 = tpu.memref_slice %arg4[%add3A_12, %dma_wait3A_314, %dma_wait3A_315] : memref<864x1x51200xf32, #tpu.memory_space<hbm>> -> memref<1x1x6400xf32, #tpu.memory_space<hbm>>
      %dma_wait3A_317 = tpu.memref_squeeze %dma_wait3A_316 : memref<1x1x6400xf32, #tpu.memory_space<hbm>> -> memref<1x6400xf32, #tpu.memory_space<hbm>>
      tpu.wait_dma2 semaphore(%arg11 : memref<!tpu.dma_semaphore, #tpu.memory_space<semaphore_mem>>) src(%arg9 : memref<1x6400xf32, #tpu.memory_space<vmem>>) dst(%dma_wait3A_317 : memref<1x6400xf32, #tpu.memory_space<hbm>>)
    }
    %scan3A_8 = arith.constant 27 : i32
    return
  }
}

</mosaic_0001>

<sc_bundles>
// kernel: kernel.3.cloned.1.call-start
scs
__scs_entry_jumppad:
0x0: {  	(pc) =	sbr.rel $0x88, $3  }
0x1: {  	(tag) =	ssettag $0x0;
	lr =	simm.s32 $0x1  }
0x2: {  	[smem:$0x3F9D] =	sst lr;
	_ =	strace $0xD0000000  }
0x3: {  	_ = 	snop  }
0x4: {  	_ = 	snop  }
0x5: {  	_ = 	snop  }
0x6: {  	_ = 	snop  }
0x7: {  	_ = 	snop  }
__scs_overlays_trampoline_lowered:
0x8: {  	[smem:$0x3FAC] =	sst s0  }
0x9: {  	[smem:$0x3FAD] =	sst s1  }
0xa: {  	[smem:$0x3FAE] =	sst s2  }
0xb: {  	[smem:$0x3FAF] =	sst s3  }
0xc: {  	[smem:$0x3FB0] =	sst s4  }
0xd: {  	[smem:$0x3FB1] =	sst s5  }
0xe: {  	[smem:$0x3FB2] =	sst s6  }
0xf: {  	[smem:$0x3FB3] =	sst s7  }
0x10: {  	[smem:$0x3FB4] =	sst s8  }
0x11: {  	[smem:$0x3FB5] =	sst s9;
	s0 =	simm.s32 @!p0 $0x0  }
0x12: {  	s1 =	sld [smem:$0x3F9B];
	s0 =	simm.s32 @p0 $0x1  }
0x13: {  	[smem:$0x3FB6] =	sst s0;
	s0 =	simm.s32 @!p1 $0x0  }
0x14: {  	s2 =	sld [smem:$0x3F9A];
	s0 =	simm.s32 @p1 $0x1  }
0x15: {  	[smem:$0x3FB7] =	sst s0;
	s0 =	simm.s32 @!p2 $0x0  }
0x16: {  	s3 =	sld [smem:$0x3FDB];
	s0 =	simm.s32 @p2 $0x1  }
0x17: {  	s4 =	simm.s32 $0x1BF5;
	[smem:$0x3FB9] =	sst s0  }
0x18: {  	s0 =	sld [smem:$0x3F9C];
	_ =	swait.ge [sflag:s4], $0x0  }
0x19: {  	s7 =	sld [smem:$0x3F9D]  }
0x1a: {  	s8 =	sadd.s32 $0xFFFFE003, lr  }
0x1b: {  	s9 =	sadd.s32 $0xFFFFFEF7, lr;
	s5 =	simm.s32 $0xFFFFFFFF;
	p2 =	slt.u32 s8, $0xFFFFF086  }
0x1c: {  	p1 =	slt.u32 s9, $0xF7A;
	s5 =	simm.s32 @!p2 $0x0  }
0x1d: {  	s5 =	simm.s32 @p1 $0x1;
	p0 =	seq.s32 s7, s2  }
0x1e: {  	s7 =	smul.u32 @!p0 $0xF7A, s2;
	p2 =	seq.s32 @!p0 s5, $0x0  }
0x1f: {  	s9 =	smul.u32 $0xF7A, s1;
	s8 =	simm.s32 @!p0 $0x1BF5;
	p2 =	por !p2, p0  }
0x20: {  	[sflag:s8] =	ssyncset.s32 @!p0 $0xFFFFF086;
	s6 =	sadd.s32 @!p0 s3, s7;
	s7 =	simm.s32 @!p0 $0x108  }
0x21: {  	s3 =	sadd.s32 s3, s9;
	s6 =	sadd.s32 @!p0 $0x88, s6;
	s7 =	simm.s32 @p2 $0x1082  }
0x22: {  	[simem:s7], [sflag:s8] =	dma.local @!p0 [hbm:s6], $0xF7A  }
0x23: {  	s9 =	sor.u32 $0xD0000000, s2;
	s6 =	simm.s32 $0x108;
	_ =	swait.ge @!p0 [sflag:s8], $0x0  }
0x24: {  	s3 =	sadd.s32 $0x88, s3;
	s6 =	simm.s32 @!p1 $0x1082;
	[sflag:s4] =	ssyncset.s32 $0xFFFFF086  }
0x25: {  	[simem:s6], [sflag:s4] =	dma.local [hbm:s3], $0xF7A  }
0x26: {  	[smem:$0x3F9D] =	sst s1;
	(tag) =	ssettag s2;
	_ =	strace s9  }
0x27: {  	s1 =	sld [smem:$0x3FAD]  }
0x28: {  	s2 =	sld [smem:$0x3FAE]  }
0x29: {  	s4 =	sld [smem:$0x3FB0]  }
0x2a: {  	p0 =	seq.s32 s5, $0x0;
	s5 =	sld [smem:$0x3FB1]  }
0x2b: {  	s6 =	sld [smem:$0x3FB2]  }
0x2c: {  	s7 =	sld [smem:$0x3FB3]  }
0x2d: {  	s3 =	simm.s32 $0x108;
	s8 =	sld [smem:$0x3FB4]  }
0x2e: {  	s3 =	simm.s32 @!p0 $0x1082;
	s9 =	sld [smem:$0x3FB5]  }
0x2f: {  	lr =	sadd.s32 s0, s3;
	s0 =	sld [smem:$0x3FAC]  }
0x30: {  	s3 =	sld [smem:$0x3FAF]  }
0x31: {  	[smem:$0x3FB8] =	sst s10  }
0x32: {  	s10 =	sld [smem:$0x3FB6];
	_ =	sdelay $0x3  }
0x33: {  	p0 =	seq.s32 s10, $0x1;
	s10 =	sld [smem:$0x3FB8];
	_ =	sdelay $0x3  }
0x34: {  	[smem:$0x3FB8] =	sst s10  }
0x35: {  	s10 =	sld [smem:$0x3FB7];
	_ =	sdelay $0x3  }
0x36: {  	p1 =	seq.s32 s10, $0x1;
	s10 =	sld [smem:$0x3FB8];
	_ =	sdelay $0x3  }
0x37: {  	[smem:$0x3FB8] =	sst s10  }
0x38: {  	s10 =	sld [smem:$0x3FB9]  }
0x39: {  	_ = 	snop;
	(pc) =	sbr.ind lr, $3  }
0x3a: {  	_ = 	snop  }
0x3b: {  	_ = 	snop  }
0x3c: {  	p2 =	seq.s32 s10, $0x1;
	s10 =	sld [smem:$0x3FB8]  }
0x3d: {  	_ =	shalt  }
0x3e: {  	_ =	shalt  }
0x3f: {  	_ =	shalt  }
0x40: {  	_ =	shalt  }
0x41: {  	_ =	shalt  }
0x42: {  	_ =	shalt  }
0x43: {  	_ =	shalt  }
0x44: {  	_ =	shalt  }
0x45: {  	_ =	shalt  }
0x46: {  	_ =	shalt  }
0x47: {  	_ =	shalt  }
0x48: {  	_ =	shalt  }
0x49: {  	_ =	shalt  }
0x4a: {  	_ =	shalt  }
0x4b: {  	_ =	shalt  }
0x4c: {  	_ =	shalt  }
0x4d: {  	_ =	shalt  }
0x4e: {  	_ =	shalt  }
0x4f: {  	_ =	shalt  }
0x50: {  	_ =	shalt  }
0x51: {  	_ =	shalt  }
0x52: {  	_ =	shalt  }
0x53: {  	_ =	shalt  }
0x54: {  	_ =	shalt  }
0x55: {  	_ =	shalt  }
0x56: {  	_ =	shalt  }
0x57: {  	_ =	shalt  }
0x58: {  	_ =	shalt  }
0x59: {  	_ =	shalt  }
0x5a: {  	_ =	shalt  }
0x5b: {  	_ =	shalt  }
0x5c: {  	_ =	shalt  }
0x5d: {  	_ =	shalt  }
0x5e: {  	_ =	shalt  }
0x5f: {  	_ =	shalt  }
0x60: {  	_ =	shalt  }
0x61: {  	_ =	shalt  }
0x62: {  	_ =	shalt  }
0x63: {  	_ =	shalt  }
0x64: {  	_ =	shalt  }
0x65: {  	_ =	shalt  }
0x66: {  	_ =	shalt  }
0x67: {  	_ =	shalt  }
0x68: {  	_ =	shalt  }
0x69: {  	_ =	shalt  }
0x6a: {  	_ =	shalt  }
0x6b: {  	_ =	shalt  }
0x6c: {  	_ =	shalt  }
0x6d: {  	_ =	shalt  }
0x6e: {  	_ =	shalt  }
0x6f: {  	_ =	shalt  }
0x70: {  	_ =	shalt  }
0x71: {  	_ =	shalt  }
0x72: {  	_ =	shalt  }
0x73: {  	_ =	shalt  }
0x74: {  	_ =	shalt  }
0x75: {  	_ =	shalt  }
0x76: {  	_ =	shalt  }
0x77: {  	_ =	shalt  }
0x78: {  	_ =	shalt  }
0x79: {  	_ =	shalt  }
0x7a: {  	_ =	shalt  }
0x7b: {  	_ =	shalt  }
0x7c: {  	_ =	shalt  }
0x7d: {  	_ =	shalt  }
0x7e: {  	_ =	shalt  }
0x7f: {  	_ =	shalt  }
0x80: {  	_ =	shalt  }
0x81: {  	_ =	shalt  }
0x82: {  	_ =	shalt  }
0x83: {  	_ =	shalt  }
0x84: {  	_ =	shalt  }
0x85: {  	_ =	shalt  }
0x86: {  	_ =	shalt  }
0x87: {  	_ =	shalt  }
.Lfunc_end0:
.L_simem_size_0:
called_computation_lowered:
.L_overlay_start_0:
0x88: {  	s2 =	sld [smem:$0x3FD9]  }
0x89: {  	s3 =	sld [smem:$0x3FFE];
	_ =	sdelay $0x1  }
0x8a: {  	s1 =	srdreg.scid  }
0x8b: {  	s0 =	sand.u32 $0x1, s1  }
0x8c: {  	s17 =	sshll.u32 s0, $0xA;
	s2 =	sadd.s32 s3, s2  }
0x8d: {  	s2 =	sadd.s32 s2, s17  }
0x8e: {  	[smem:$0x3FC4] =	sst s2  }
0x8f: {  	_ = 	snop  }
0x90: {  	s2 =	sld [smem:$0x3FD0];
	(tm) =	ssettm $0x1  }
0x91: {  	s18 =	sld [smem:$0x3FFB];
	_ =	sdelay $0x3  }
0x92: {  	_ =	strace s18  }
0x93: {  	s3 =	sld [smem:$0x3FFC];
	_ =	sdelay $0x3  }
0x94: {  	_ =	strace s3  }
0x95: {  	s3 =	sld [smem:$0x3FFD];
	_ =	sdelay $0x3  }
0x96: {  	_ =	strace s3  }
0x97: {  	_ =	strace $0x8FFFFFFF  }
0x98: {  	s19 =	sld [smem:$0x3FDB];
	_ =	sdelay $0x1  }
0x99: {  	s4 =	simm.s32 $_scs_section_size  }
0x9a: {  	s5 =	simm.s32 $_size__tile_overlayer_lowered;
	s6 =	simm.s32 $_tile_overlayer_lowered  }
0x9b: {  	s22 =	simm.s32 $0x1BFF;
	s21 =	sshll.u32 s6, $0x1;
	s3 =	sadd.s32 s4, s19  }
0x9c: {  	s7 =	simm.s32 $0x0;
	s20 =	sshll.u32 s5, $0x1;
	s5 =	sadd.s32 s21, s3  }
0x9d: {  	[timem:s7], [sflag:s22] =	dma.local [hbm:s5], s20  }
0x9e: {  	_ =	swait.ge [sflag:s22], s20  }
0x9f: {  	s4 =	ssub.s32 $0x0, s20;
	[sflag:s22] =	ssyncset.done $0x0  }
0xa0: {  	[sflag:s22] =	ssyncadd.s32 s4;
	_ =	sdelay $0x1  }
0xa1: {  	s23 =	simm.s32 $0x1B8B  }
0xa2: {  	_ =	swait.ge [sflag:s23], $0x1  }
0xa3: {  	[sflag:s23] =	ssyncset.done $0x0  }
0xa4: {  	s25 =	simm.s32 $0x1B8E;
	s24 =	sld [smem:$0x3FFE];
	[sflag:s23] =	ssyncadd.s32 $0xFFFFFFFF  }
0xa5: {  	s26 =	simm.s32 $execute0_lowered;
	[smem:$0x3FD2] =	sst s25  }
0xa6: {  	s5 =	sshll.u32 s26, $0x1;
	_ =	strace $0x80000046;
	[dreg:$0x1] =	wrdreg $0xFFFFFFFF  }
0xa7: {  	s28 =	simm.s32 $_size_execute0_lowered;
	s3 =	sadd.s32 s3, s5;
	[dreg:$0x0] =	wrdreg $0x0  }
0xa8: {  	s5 =	sshll.u32 s28, $0x1;
	[dreg:$0x2] =	wrdreg s3  }
0xa9: {  	[dreg:$0x3] =	wrdreg s5  }
0xaa: {  	[dreg:$0x4] =	wrdreg $0xC0  }
0xab: {  	_ =	task [dreg:s7], $0x5FFFF  }
0xac: {  	[dreg:$0x1] =	wrdreg $0xFFFFFFFF  }
0xad: {  	[dreg:$0x0] =	wrdreg $0x60  }
0xae: {  	[dreg:$0x2] =	wrdreg s24  }
0xaf: {  	[dreg:$0x3] =	wrdreg s2  }
0xb0: {  	[dreg:$0x4] =	wrdreg $0x9  }
0xb1: {  	_ =	task.clear_ibuf [dreg:s7], $0x5FFFF;
	_ =	strace $0x90000046  }
0xb2: {  	s29 =	simm.s32 $0x9;
	_ =	strace $0x80000048  }
0xb3: {  	_ =	swait.ge [sflag:s29], $0x1  }
0xb4: {  	[sflag:s29] =	ssyncadd.s32 $0xFFFFFFFF  }
0xb5: {  	_ =	strace $0x90000048  }
0xb6: {  	_ =	sfence  }
0xb7: {  	s30 =	sld [smem:$0x0];
	_ =	sdelay $0x2  }
0xb8: {  	s31 =	sshll.u32 s1, $0xD;
	s1 =	sshrl.u32 s1, $0x2  }
0xb9: {  	s3 =	sand.u32 $0x4000, s31;
	s1 =	sadd.s32 s1, s30  }
0xba: {  	s0 =	sor.u32 s3, s0;
	s1 =	sshll.u32 s1, $0x11  }
0xbb: {  	s0 =	sor.u32 s1, s0  }
0xbc: {  	s0 =	sadd.s32 $0x8F2B, s0  }
0xbd: {  	[sflag:s0] =	ssyncadd.remote.s32 $0x1  }
0xbe: {  	_ =	sfence.sel $0xFFFF  }
0xbf: {  	[dreg:$0x0] =	wrdreg $0xFFFFFFFF;
	(pc) =	sbr.abs _section_cstart, $3  }
0xc0: {  	[dreg:$0x1] =	wrdreg $0xFFFFFFFF  }
0xc1: {  	_ =	task.clear_ibuf [dreg:s7], $0x2FFFF;
	_ =	strace $0x9FFFFFFF  }
0xc2: {  	(tm) =	ssettm $0x7FFFFFFF  }
0xc3: {  	_ =	shalt  }
tec
execute0_lowered:
.L_overlay_start_1:
0x0: {  	(tag) =	ssettag $0x1  }
0x1: {  	s5 =	rddreg [dreg:$0x0]  }
0x2: {  	s1 =	rddreg [dreg:$0x1]  }
0x3: {  	s0 =	rddreg [dreg:$0x2];
	s2 =	simm.s32 $0x0;
	s3 =	srdreg.scid  }
0x4: {  	s9 =	simm.s32 $0x18700;
	s10 =	simm.s32 $0x1;
	s11 =	simm.s32 $0x1A000  }
0x5: {  	s12 =	simm.s32 $0x1B900;
	s13 =	simm.s32 $0x1D200;
	s14 =	simm.s32 $0x2  }
0x6: {  	s15 =	simm.s32 $0x0;
	[smem:$0x7FF] =	sst s2;
	s4 =	sand.u32 $0x1, s3  }
0x7: {  	v0 =	vlaneseq.u32;
	s3 =	stileid.u32;
	_ =	strace $0x80000047;
	s6 =	ssub.s32 $0x2, s4  }
0x8: {  	v1 =	vor.u32 $0x10, v0;
	s7 =	sshll.u32 s4, $0x4;
	s4 =	sadd.s32 $0x13DBA00, s5;
	s8 =	sshrl.u32 s6, $0x1  }
0x9: {  	v2 =	vor.u32 $0x20, v0;
	v3 =	vor.u32 $0x30, v0;
	v4 =	vor.u32 $0x40, v0;
	s5 =	sadd.s32 $0xA00, s5;
	s7 =	sor.u32 s3, s7;
	s8 =	ssub.s32 s6, s8  }
0xa: {  	v5 =	vor.u32 $0x50, v0;
	v6 =	vor.u32 $0x60, v0;
	v7 =	vor.u32 $0x70, v0;
	s6 =	smul.u32 $0x1B, s7;
	s7 =	smax.u32 s8, $0x1;
	s8 =	simm.s32 $0x3  }
.LBB2_1:
0xb: {  	s16 =	simm.s32 $0x0  }
.LBB2_2:
0xc: {  	s17 =	sadd.s32 s6, s16  }
0xd: {  	s18 =	smul.u32 $0x30E0, s17  }
0xe: {  	s20 =	sshrl.u32 s17, $0x5  }
0xf: {  	s19 =	simm.s32 $0x0;
	s30 =	smul.u32 $0xC800, s20;
	s18 =	sadd.s32 s4, s18  }
0x10: {  	[tilespmem:s19], [sflag:$0x3] =	stream.linear.gather [hbm4b:s18+s19], $0x18700, $0x38;
	[tilespmem:$0x1EB00] =	vst v63  }
0x11: {  	_ =	swait.ge [sflag:s8], $0x18700  }
0x12: {  	s18 =	sshrl.u32 s30, $0x3;
	[sflag:s8] =	ssyncset.done $0x0  }
0x13: {  	s18 =	sadd.s32 s5, s18;
	[sflag:s8] =	ssyncadd.s32 $0xFFFE7900  }
0x14: {  	[tilespmem:s9], [sflag:$0x1] =	stream.linear.gather [hbm4b:s18+s19], $0x1900, $0x38;
	[tilespmem:$0x1EB00] =	vst v63  }
0x15: {  	_ =	swait.ge [sflag:s10], $0x1900  }
0x16: {  	[sflag:s10] =	ssyncset.done $0x0  }
0x17: {  	s31 =	sadd.s32 $0x320, s18;
	[sflag:s10] =	ssyncadd.s32 $0xFFFFE700  }
0x18: {  	[tilespmem:s11], [sflag:$0x1] =	stream.linear.gather [hbm4b:s31+s19], $0x1900, $0x38;
	[tilespmem:$0x1EB00] =	vst v63  }
.LBB2_3:
0x19: {  	v8 =	vmov s19  }
0x1a: {  	v8 =	vshrl.u32 v8, $0x7  }
0x1b: {  	v8 =	vshll.u32 v8, $0x7  }
0x1c: {  	v8 =	vbroadcast v8, $0x0;
	_ =	sdelay $0x1  }
0x1d: {  	v9 =	vor.u32 v0, v8;
	_ =	sdelay $0x4  }
0x1e: {  	v10 =	vld.idx.msk [tilespmem:v9+s9+$0x0], $0xffff;
	_ =	sdelay $0x7  }
0x1f: {  	v10 =	vld.idx.msk [tilespmem:v10+s2+$0x0], $0xffff  }
0x20: {  	v11 =	vor.u32 v1, v8;
	_ =	sdelay $0x3  }
0x21: {  	[tilespmem:v9+s12+$0x0] =	vst.idx.msk $0xffff, v10  }
0x22: {  	v9 =	vld.idx.msk [tilespmem:v11+s9+$0x0], $0xffff;
	_ =	sdelay $0x7  }
0x23: {  	v9 =	vld.idx.msk [tilespmem:v9+s2+$0x0], $0xffff  }
0x24: {  	v59 =	vor.u32 v2, v8;
	_ =	sdelay $0x3  }
0x25: {  	[tilespmem:v11+s12+$0x0] =	vst.idx.msk $0xffff, v9  }
0x26: {  	v9 =	vld.idx.msk [tilespmem:v59+s9+$0x0], $0xffff;
	_ =	sdelay $0x7  }
0x27: {  	v9 =	vld.idx.msk [tilespmem:v9+s2+$0x0], $0xffff  }
0x28: {  	v60 =	vor.u32 v3, v8;
	_ =	sdelay $0x3  }
0x29: {  	[tilespmem:v59+s12+$0x0] =	vst.idx.msk $0xffff, v9  }
0x2a: {  	v9 =	vld.idx.msk [tilespmem:v60+s9+$0x0], $0xffff;
	_ =	sdelay $0x7  }
0x2b: {  	v9 =	vld.idx.msk [tilespmem:v9+s2+$0x0], $0xffff  }
0x2c: {  	v61 =	vor.u32 v4, v8;
	_ =	sdelay $0x3  }
0x2d: {  	[tilespmem:v60+s12+$0x0] =	vst.idx.msk $0xffff, v9  }
0x2e: {  	v9 =	vld.idx.msk [tilespmem:v61+s9+$0x0], $0xffff;
	_ =	sdelay $0x7  }
0x2f: {  	v9 =	vld.idx.msk [tilespmem:v9+s2+$0x0], $0xffff  }
0x30: {  	v62 =	vor.u32 v5, v8;
	_ =	sdelay $0x3  }
0x31: {  	[tilespmem:v61+s12+$0x0] =	vst.idx.msk $0xffff, v9  }
0x32: {  	v9 =	vld.idx.msk [tilespmem:v62+s9+$0x0], $0xffff;
	_ =	sdelay $0x7  }
0x33: {  	v9 =	vld.idx.msk [tilespmem:v9+s2+$0x0], $0xffff  }
0x34: {  	v63 =	vor.u32 v6, v8;
	_ =	sdelay $0x3  }
0x35: {  	[tilespmem:v62+s12+$0x0] =	vst.idx.msk $0xffff, v9  }
0x36: {  	v9 =	vld.idx.msk [tilespmem:v63+s9+$0x0], $0xffff;
	_ =	sdelay $0x7  }
0x37: {  	v9 =	vld.idx.msk [tilespmem:v9+s2+$0x0], $0xffff  }
0x38: {  	v8 =	vor.u32 v7, v8;
	_ =	sdelay $0x3  }
0x39: {  	[tilespmem:v63+s12+$0x0] =	vst.idx.msk $0xffff, v9  }
0x3a: {  	v9 =	vld.idx.msk [tilespmem:v8+s9+$0x0], $0xffff;
	_ =	sdelay $0x7  }
0x3b: {  	p0 =	sne.s32 s19, $0x1880;
	v9 =	vld.idx.msk [tilespmem:v9+s2+$0x0], $0xffff  }
.Ltmp0:
0x3c: {  	_ = 	snop;
	(pc) =	sbr.rel @p0 .LBB2_3-.Ltmp0, $2  }
0x3d: {  	_ =	sdelay $0x2  }
0x3e: {  	s19 =	sadd.s32 $0x80, s19;
	[tilespmem:v8+s12+$0x0] =	vst.idx.msk $0xffff, v9  }
0x3f: {  	s17 =	smul.u32 $0xC800, s17;
	_ =	sdelay $0x1  }
0x40: {  	s17 =	sshrl.u32 s17, $0x3  }
0x41: {  	s19 =	simm.s32 $0x0;
	s17 =	sadd.s32 s1, s17  }
0x42: {  	[hbm4b:s17+s19] =	stream.linear.scatter [tilespmem:s12], [sflag:$0x2], $0x1900, $0x38;
	[tilespmem:$0x1EB00] =	vst v63  }
0x43: {  	_ =	swait.ge [sflag:s10], $0x1900  }
0x44: {  	[sflag:s10] =	ssyncset.done $0x0  }
0x45: {  	s20 =	sadd.s32 $0x640, s18;
	[sflag:s10] =	ssyncadd.s32 $0xFFFFE700  }
0x46: {  	[tilespmem:s9], [sflag:$0x1] =	stream.linear.gather [hbm4b:s20+s19], $0x1900, $0x38;
	[tilespmem:$0x1EB00] =	vst v63  }
.LBB2_5:
0x47: {  	v8 =	vmov s19  }
0x48: {  	v8 =	vshrl.u32 v8, $0x7  }
0x49: {  	v8 =	vshll.u32 v8, $0x7  }
0x4a: {  	v8 =	vbroadcast v8, $0x0;
	_ =	sdelay $0x1  }
0x4b: {  	v9 =	vor.u32 v0, v8;
	_ =	sdelay $0x4  }
0x4c: {  	v10 =	vld.idx.msk [tilespmem:v9+s11+$0x0], $0xffff;
	_ =	sdelay $0x7  }
0x4d: {  	v10 =	vld.idx.msk [tilespmem:v10+s2+$0x0], $0xffff  }
0x4e: {  	v11 =	vor.u32 v1, v8;
	_ =	sdelay $0x3  }
0x4f: {  	[tilespmem:v9+s13+$0x0] =	vst.idx.msk $0xffff, v10  }
0x50: {  	v9 =	vld.idx.msk [tilespmem:v11+s11+$0x0], $0xffff;
	_ =	sdelay $0x7  }
0x51: {  	v9 =	vld.idx.msk [tilespmem:v9+s2+$0x0], $0xffff  }
0x52: {  	v59 =	vor.u32 v2, v8;
	_ =	sdelay $0x3  }
0x53: {  	[tilespmem:v11+s13+$0x0] =	vst.idx.msk $0xffff, v9  }
0x54: {  	v9 =	vld.idx.msk [tilespmem:v59+s11+$0x0], $0xffff;
	_ =	sdelay $0x7  }
0x55: {  	v9 =	vld.idx.msk [tilespmem:v9+s2+$0x0], $0xffff  }
0x56: {  	v60 =	vor.u32 v3, v8;
	_ =	sdelay $0x3  }
0x57: {  	[tilespmem:v59+s13+$0x0] =	vst.idx.msk $0xffff, v9  }
0x58: {  	v9 =	vld.idx.msk [tilespmem:v60+s11+$0x0], $0xffff;
	_ =	sdelay $0x7  }
0x59: {  	v9 =	vld.idx.msk [tilespmem:v9+s2+$0x0], $0xffff  }
0x5a: {  	v61 =	vor.u32 v4, v8;
	_ =	sdelay $0x3  }
0x5b: {  	[tilespmem:v60+s13+$0x0] =	vst.idx.msk $0xffff, v9  }
0x5c: {  	v9 =	vld.idx.msk [tilespmem:v61+s11+$0x0], $0xffff;
	_ =	sdelay $0x7  }
0x5d: {  	v9 =	vld.idx.msk [tilespmem:v9+s2+$0x0], $0xffff  }
0x5e: {  	v62 =	vor.u32 v5, v8;
	_ =	sdelay $0x3  }
0x5f: {  	[tilespmem:v61+s13+$0x0] =	vst.idx.msk $0xffff, v9  }
0x60: {  	v9 =	vld.idx.msk [tilespmem:v62+s11+$0x0], $0xffff;
	_ =	sdelay $0x7  }
0x61: {  	v9 =	vld.idx.msk [tilespmem:v9+s2+$0x0], $0xffff  }
0x62: {  	v63 =	vor.u32 v6, v8;
	_ =	sdelay $0x3  }
0x63: {  	[tilespmem:v62+s13+$0x0] =	vst.idx.msk $0xffff, v9  }
0x64: {  	v9 =	vld.idx.msk [tilespmem:v63+s11+$0x0], $0xffff;
	_ =	sdelay $0x7  }
0x65: {  	v9 =	vld.idx.msk [tilespmem:v9+s2+$0x0], $0xffff  }
0x66: {  	v8 =	vor.u32 v7, v8;
	_ =	sdelay $0x3  }
0x67: {  	[tilespmem:v63+s13+$0x0] =	vst.idx.msk $0xffff, v9  }
0x68: {  	v9 =	vld.idx.msk [tilespmem:v8+s11+$0x0], $0xffff;
	_ =	sdelay $0x7  }
0x69: {  	p0 =	sne.s32 s19, $0x1880;
	v9 =	vld.idx.msk [tilespmem:v9+s2+$0x0], $0xffff  }
.Ltmp1:
0x6a: {  	_ = 	snop;
	(pc) =	sbr.rel @p0 .LBB2_5-.Ltmp1, $2  }
0x6b: {  	_ =	sdelay $0x2  }
0x6c: {  	s19 =	sadd.s32 $0x80, s19;
	[tilespmem:v8+s13+$0x0] =	vst.idx.msk $0xffff, v9  }
0x6d: {  	s20 =	sadd.s32 $0x320, s17;
	s19 =	simm.s32 $0x0  }
0x6e: {  	[hbm4b:s20+s19] =	stream.linear.scatter [tilespmem:s13], [sflag:$0x2], $0x1900, $0x38;
	[tilespmem:$0x1EB00] =	vst v63  }
0x6f: {  	_ =	swait.ge [sflag:s10], $0x1900  }
0x70: {  	[sflag:s10] =	ssyncset.done $0x0  }
0x71: {  	s31 =	sadd.s32 $0x960, s18;
	[sflag:s10] =	ssyncadd.s32 $0xFFFFE700  }
0x72: {  	[tilespmem:s11], [sflag:$0x1] =	stream.linear.gather [hbm4b:s31+s19], $0x1900, $0x38;
	[tilespmem:$0x1EB00] =	vst v63  }
0x73: {  	_ =	swait.ge [sflag:s14], $0x1900  }
0x74: {  	[sflag:s14] =	ssyncset.done $0x0  }
0x75: {  	[sflag:s14] =	ssyncadd.s32 $0xFFFFE700  }
.LBB2_7:
0x76: {  	v8 =	vmov s19  }
0x77: {  	v8 =	vshrl.u32 v8, $0x7  }
0x78: {  	v8 =	vshll.u32 v8, $0x7  }
0x79: {  	v8 =	vbroadcast v8, $0x0;
	_ =	sdelay $0x1  }
0x7a: {  	v9 =	vor.u32 v0, v8;
	_ =	sdelay $0x4  }
0x7b: {  	v10 =	vld.idx.msk [tilespmem:v9+s9+$0x0], $0xffff;
	_ =	sdelay $0x7  }
0x7c: {  	v10 =	vld.idx.msk [tilespmem:v10+s2+$0x0], $0xffff  }
0x7d: {  	v11 =	vor.u32 v1, v8;
	_ =	sdelay $0x3  }
0x7e: {  	[tilespmem:v9+s12+$0x0] =	vst.idx.msk $0xffff, v10  }
0x7f: {  	v9 =	vld.idx.msk [tilespmem:v11+s9+$0x0], $0xffff;
	_ =	sdelay $0x7  }
0x80: {  	v9 =	vld.idx.msk [tilespmem:v9+s2+$0x0], $0xffff  }
0x81: {  	v59 =	vor.u32 v2, v8;
	_ =	sdelay $0x3  }
0x82: {  	[tilespmem:v11+s12+$0x0] =	vst.idx.msk $0xffff, v9  }
0x83: {  	v9 =	vld.idx.msk [tilespmem:v59+s9+$0x0], $0xffff;
	_ =	sdelay $0x7  }
0x84: {  	v9 =	vld.idx.msk [tilespmem:v9+s2+$0x0], $0xffff  }
0x85: {  	v60 =	vor.u32 v3, v8;
	_ =	sdelay $0x3  }
0x86: {  	[tilespmem:v59+s12+$0x0] =	vst.idx.msk $0xffff, v9  }
0x87: {  	v9 =	vld.idx.msk [tilespmem:v60+s9+$0x0], $0xffff;
	_ =	sdelay $0x7  }
0x88: {  	v9 =	vld.idx.msk [tilespmem:v9+s2+$0x0], $0xffff  }
0x89: {  	v61 =	vor.u32 v4, v8;
	_ =	sdelay $0x3  }
0x8a: {  	[tilespmem:v60+s12+$0x0] =	vst.idx.msk $0xffff, v9  }
0x8b: {  	v9 =	vld.idx.msk [tilespmem:v61+s9+$0x0], $0xffff;
	_ =	sdelay $0x7  }
0x8c: {  	v9 =	vld.idx.msk [tilespmem:v9+s2+$0x0], $0xffff  }
0x8d: {  	v62 =	vor.u32 v5, v8;
	_ =	sdelay $0x3  }
0x8e: {  	[tilespmem:v61+s12+$0x0] =	vst.idx.msk $0xffff, v9  }
0x8f: {  	v9 =	vld.idx.msk [tilespmem:v62+s9+$0x0], $0xffff;
	_ =	sdelay $0x7  }
0x90: {  	v9 =	vld.idx.msk [tilespmem:v9+s2+$0x0], $0xffff  }
0x91: {  	v63 =	vor.u32 v6, v8;
	_ =	sdelay $0x3  }
0x92: {  	[tilespmem:v62+s12+$0x0] =	vst.idx.msk $0xffff, v9  }
0x93: {  	v9 =	vld.idx.msk [tilespmem:v63+s9+$0x0], $0xffff;
	_ =	sdelay $0x7  }
0x94: {  	v9 =	vld.idx.msk [tilespmem:v9+s2+$0x0], $0xffff  }
0x95: {  	v8 =	vor.u32 v7, v8;
	_ =	sdelay $0x3  }
0x96: {  	[tilespmem:v63+s12+$0x0] =	vst.idx.msk $0xffff, v9  }
0x97: {  	v9 =	vld.idx.msk [tilespmem:v8+s9+$0x0], $0xffff;
	_ =	sdelay $0x7  }
0x98: {  	p0 =	sne.s32 s19, $0x1880;
	v9 =	vld.idx.msk [tilespmem:v9+s2+$0x0], $0xffff  }
.Ltmp2:
0x99: {  	_ = 	snop;
	(pc) =	sbr.rel @p0 .LBB2_7-.Ltmp2, $2  }
0x9a: {  	_ =	sdelay $0x2  }
0x9b: {  	s19 =	sadd.s32 $0x80, s19;
	[tilespmem:v8+s12+$0x0] =	vst.idx.msk $0xffff, v9  }
0x9c: {  	s20 =	sadd.s32 $0x640, s17;
	s19 =	simm.s32 $0x0  }
0x9d: {  	[hbm4b:s20+s19] =	stream.linear.scatter [tilespmem:s12], [sflag:$0x2], $0x1900, $0x38;
	[tilespmem:$0x1EB00] =	vst v63  }
0x9e: {  	_ =	swait.ge [sflag:s10], $0x1900  }
0x9f: {  	[sflag:s10] =	ssyncset.done $0x0  }
0xa0: {  	s31 =	sadd.s32 $0xC80, s18;
	[sflag:s10] =	ssyncadd.s32 $0xFFFFE700  }
0xa1: {  	[tilespmem:s9], [sflag:$0x1] =	stream.linear.gather [hbm4b:s31+s19], $0x1900, $0x38;
	[tilespmem:$0x1EB00] =	vst v63  }
0xa2: {  	_ =	swait.ge [sflag:s14], $0x1900  }
0xa3: {  	[sflag:s14] =	ssyncset.done $0x0  }
0xa4: {  	[sflag:s14] =	ssyncadd.s32 $0xFFFFE700  }
.LBB2_9:
0xa5: {  	v8 =	vmov s19  }
0xa6: {  	v8 =	vshrl.u32 v8, $0x7  }
0xa7: {  	v8 =	vshll.u32 v8, $0x7  }
0xa8: {  	v8 =	vbroadcast v8, $0x0;
	_ =	sdelay $0x1  }
0xa9: {  	v9 =	vor.u32 v0, v8;
	_ =	sdelay $0x4  }
0xaa: {  	v10 =	vld.idx.msk [tilespmem:v9+s11+$0x0], $0xffff;
	_ =	sdelay $0x7  }
0xab: {  	v10 =	vld.idx.msk [tilespmem:v10+s2+$0x0], $0xffff  }
0xac: {  	v11 =	vor.u32 v1, v8;
	_ =	sdelay $0x3  }
0xad: {  	[tilespmem:v9+s13+$0x0] =	vst.idx.msk $0xffff, v10  }
0xae: {  	v9 =	vld.idx.msk [tilespmem:v11+s11+$0x0], $0xffff;
	_ =	sdelay $0x7  }
0xaf: {  	v9 =	vld.idx.msk [tilespmem:v9+s2+$0x0], $0xffff  }
0xb0: {  	v59 =	vor.u32 v2, v8;
	_ =	sdelay $0x3  }
0xb1: {  	[tilespmem:v11+s13+$0x0] =	vst.idx.msk $0xffff, v9  }
0xb2: {  	v9 =	vld.idx.msk [tilespmem:v59+s11+$0x0], $0xffff;
	_ =	sdelay $0x7  }
0xb3: {  	v9 =	vld.idx.msk [tilespmem:v9+s2+$0x0], $0xffff  }
0xb4: {  	v60 =	vor.u32 v3, v8;
	_ =	sdelay $0x3  }
0xb5: {  	[tilespmem:v59+s13+$0x0] =	vst.idx.msk $0xffff, v9  }
0xb6: {  	v9 =	vld.idx.msk [tilespmem:v60+s11+$0x0], $0xffff;
	_ =	sdelay $0x7  }
0xb7: {  	v9 =	vld.idx.msk [tilespmem:v9+s2+$0x0], $0xffff  }
0xb8: {  	v61 =	vor.u32 v4, v8;
	_ =	sdelay $0x3  }
0xb9: {  	[tilespmem:v60+s13+$0x0] =	vst.idx.msk $0xffff, v9  }
0xba: {  	v9 =	vld.idx.msk [tilespmem:v61+s11+$0x0], $0xffff;
	_ =	sdelay $0x7  }
0xbb: {  	v9 =	vld.idx.msk [tilespmem:v9+s2+$0x0], $0xffff  }
0xbc: {  	v62 =	vor.u32 v5, v8;
	_ =	sdelay $0x3  }
0xbd: {  	[tilespmem:v61+s13+$0x0] =	vst.idx.msk $0xffff, v9  }
0xbe: {  	v9 =	vld.idx.msk [tilespmem:v62+s11+$0x0], $0xffff;
	_ =	sdelay $0x7  }
0xbf: {  	v9 =	vld.idx.msk [tilespmem:v9+s2+$0x0], $0xffff  }
0xc0: {  	v63 =	vor.u32 v6, v8;
	_ =	sdelay $0x3  }
0xc1: {  	[tilespmem:v62+s13+$0x0] =	vst.idx.msk $0xffff, v9  }
0xc2: {  	v9 =	vld.idx.msk [tilespmem:v63+s11+$0x0], $0xffff;
	_ =	sdelay $0x7  }
0xc3: {  	v9 =	vld.idx.msk [tilespmem:v9+s2+$0x0], $0xffff  }
0xc4: {  	v8 =	vor.u32 v7, v8;
	_ =	sdelay $0x3  }
0xc5: {  	[tilespmem:v63+s13+$0x0] =	vst.idx.msk $0xffff, v9  }
0xc6: {  	v9 =	vld.idx.msk [tilespmem:v8+s11+$0x0], $0xffff;
	_ =	sdelay $0x7  }
0xc7: {  	p0 =	sne.s32 s19, $0x1880;
	v9 =	vld.idx.msk [tilespmem:v9+s2+$0x0], $0xffff  }
.Ltmp3:
0xc8: {  	_ = 	snop;
	(pc) =	sbr.rel @p0 .LBB2_9-.Ltmp3, $2  }
0xc9: {  	_ =	sdelay $0x2  }
0xca: {  	s19 =	sadd.s32 $0x80, s19;
	[tilespmem:v8+s13+$0x0] =	vst.idx.msk $0xffff, v9  }
0xcb: {  	s20 =	sadd.s32 $0x960, s17;
	s19 =	simm.s32 $0x0  }
0xcc: {  	[hbm4b:s20+s19] =	stream.linear.scatter [tilespmem:s13], [sflag:$0x2], $0x1900, $0x38;
	[tilespmem:$0x1EB00] =	vst v63  }
0xcd: {  	_ =	swait.ge [sflag:s10], $0x1900  }
0xce: {  	[sflag:s10] =	ssyncset.done $0x0  }
0xcf: {  	s31 =	sadd.s32 $0xFA0, s18;
	[sflag:s10] =	ssyncadd.s32 $0xFFFFE700  }
0xd0: {  	[tilespmem:s11], [sflag:$0x1] =	stream.linear.gather [hbm4b:s31+s19], $0x1900, $0x38;
	[tilespmem:$0x1EB00] =	vst v63  }
0xd1: {  	_ =	swait.ge [sflag:s14], $0x1900  }
0xd2: {  	[sflag:s14] =	ssyncset.done $0x0  }
0xd3: {  	[sflag:s14] =	ssyncadd.s32 $0xFFFFE700  }
.LBB2_11:
0xd4: {  	v8 =	vmov s19  }
0xd5: {  	v8 =	vshrl.u32 v8, $0x7  }
0xd6: {  	v8 =	vshll.u32 v8, $0x7  }
0xd7: {  	v8 =	vbroadcast v8, $0x0;
	_ =	sdelay $0x1  }
0xd8: {  	v9 =	vor.u32 v0, v8;
	_ =	sdelay $0x4  }
0xd9: {  	v10 =	vld.idx.msk [tilespmem:v9+s9+$0x0], $0xffff;
	_ =	sdelay $0x7  }
0xda: {  	v10 =	vld.idx.msk [tilespmem:v10+s2+$0x0], $0xffff  }
0xdb: {  	v11 =	vor.u32 v1, v8;
	_ =	sdelay $0x3  }
0xdc: {  	[tilespmem:v9+s12+$0x0] =	vst.idx.msk $0xffff, v10  }
0xdd: {  	v9 =	vld.idx.msk [tilespmem:v11+s9+$0x0], $0xffff;
	_ =	sdelay $0x7  }
0xde: {  	v9 =	vld.idx.msk [tilespmem:v9+s2+$0x0], $0xffff  }
0xdf: {  	v59 =	vor.u32 v2, v8;
	_ =	sdelay $0x3  }
0xe0: {  	[tilespmem:v11+s12+$0x0] =	vst.idx.msk $0xffff, v9  }
0xe1: {  	v9 =	vld.idx.msk [tilespmem:v59+s9+$0x0], $0xffff;
	_ =	sdelay $0x7  }
0xe2: {  	v9 =	vld.idx.msk [tilespmem:v9+s2+$0x0], $0xffff  }
0xe3: {  	v60 =	vor.u32 v3, v8;
	_ =	sdelay $0x3  }
0xe4: {  	[tilespmem:v59+s12+$0x0] =	vst.idx.msk $0xffff, v9  }
0xe5: {  	v9 =	vld.idx.msk [tilespmem:v60+s9+$0x0], $0xffff;
	_ =	sdelay $0x7  }
0xe6: {  	v9 =	vld.idx.msk [tilespmem:v9+s2+$0x0], $0xffff  }
0xe7: {  	v61 =	vor.u32 v4, v8;
	_ =	sdelay $0x3  }
0xe8: {  	[tilespmem:v60+s12+$0x0] =	vst.idx.msk $0xffff, v9  }
0xe9: {  	v9 =	vld.idx.msk [tilespmem:v61+s9+$0x0], $0xffff;
	_ =	sdelay $0x7  }
0xea: {  	v9 =	vld.idx.msk [tilespmem:v9+s2+$0x0], $0xffff  }
0xeb: {  	v62 =	vor.u32 v5, v8;
	_ =	sdelay $0x3  }
0xec: {  	[tilespmem:v61+s12+$0x0] =	vst.idx.msk $0xffff, v9  }
0xed: {  	v9 =	vld.idx.msk [tilespmem:v62+s9+$0x0], $0xffff;
	_ =	sdelay $0x7  }
0xee: {  	v9 =	vld.idx.msk [tilespmem:v9+s2+$0x0], $0xffff  }
0xef: {  	v63 =	vor.u32 v6, v8;
	_ =	sdelay $0x3  }
0xf0: {  	[tilespmem:v62+s12+$0x0] =	vst.idx.msk $0xffff, v9  }
0xf1: {  	v9 =	vld.idx.msk [tilespmem:v63+s9+$0x0], $0xffff;
	_ =	sdelay $0x7  }
0xf2: {  	v9 =	vld.idx.msk [tilespmem:v9+s2+$0x0], $0xffff  }
0xf3: {  	v8 =	vor.u32 v7, v8;
	_ =	sdelay $0x3  }
0xf4: {  	[tilespmem:v63+s12+$0x0] =	vst.idx.msk $0xffff, v9  }
0xf5: {  	v9 =	vld.idx.msk [tilespmem:v8+s9+$0x0], $0xffff;
	_ =	sdelay $0x7  }
0xf6: {  	p0 =	sne.s32 s19, $0x1880;
	v9 =	vld.idx.msk [tilespmem:v9+s2+$0x0], $0xffff  }
.Ltmp4:
0xf7: {  	_ = 	snop;
	(pc) =	sbr.rel @p0 .LBB2_11-.Ltmp4, $2  }
0xf8: {  	_ =	sdelay $0x2  }
0xf9: {  	s19 =	sadd.s32 $0x80, s19;
	[tilespmem:v8+s12+$0x0] =	vst.idx.msk $0xffff, v9  }
0xfa: {  	s20 =	sadd.s32 $0xC80, s17;
	s19 =	simm.s32 $0x0  }
0xfb: {  	[hbm4b:s20+s19] =	stream.linear.scatter [tilespmem:s12], [sflag:$0x2], $0x1900, $0x38;
	[tilespmem:$0x1EB00] =	vst v63  }
0xfc: {  	_ =	swait.ge [sflag:s10], $0x1900  }
0xfd: {  	[sflag:s10] =	ssyncset.done $0x0  }
0xfe: {  	s31 =	sadd.s32 $0x12C0, s18;
	[sflag:s10] =	ssyncadd.s32 $0xFFFFE700  }
0xff: {  	[tilespmem:s9], [sflag:$0x1] =	stream.linear.gather [hbm4b:s31+s19], $0x1900, $0x38;
	[tilespmem:$0x1EB00] =	vst v63  }
0x100: {  	_ =	swait.ge [sflag:s14], $0x1900  }
0x101: {  	[sflag:s14] =	ssyncset.done $0x0  }
0x102: {  	[sflag:s14] =	ssyncadd.s32 $0xFFFFE700  }
.LBB2_13:
0x103: {  	v8 =	vmov s19  }
0x104: {  	v8 =	vshrl.u32 v8, $0x7  }
0x105: {  	v8 =	vshll.u32 v8, $0x7  }
0x106: {  	v8 =	vbroadcast v8, $0x0;
	_ =	sdelay $0x1  }
0x107: {  	v9 =	vor.u32 v0, v8;
	_ =	sdelay $0x4  }
0x108: {  	v10 =	vld.idx.msk [tilespmem:v9+s11+$0x0], $0xffff;
	_ =	sdelay $0x7  }
0x109: {  	v10 =	vld.idx.msk [tilespmem:v10+s2+$0x0], $0xffff  }
0x10a: {  	v11 =	vor.u32 v1, v8;
	_ =	sdelay $0x3  }
0x10b: {  	[tilespmem:v9+s13+$0x0] =	vst.idx.msk $0xffff, v10  }
0x10c: {  	v9 =	vld.idx.msk [tilespmem:v11+s11+$0x0], $0xffff;
	_ =	sdelay $0x7  }
0x10d: {  	v9 =	vld.idx.msk [tilespmem:v9+s2+$0x0], $0xffff  }
0x10e: {  	v59 =	vor.u32 v2, v8;
	_ =	sdelay $0x3  }
0x10f: {  	[tilespmem:v11+s13+$0x0] =	vst.idx.msk $0xffff, v9  }
0x110: {  	v9 =	vld.idx.msk [tilespmem:v59+s11+$0x0], $0xffff;
	_ =	sdelay $0x7  }
0x111: {  	v9 =	vld.idx.msk [tilespmem:v9+s2+$0x0], $0xffff  }
0x112: {  	v60 =	vor.u32 v3, v8;
	_ =	sdelay $0x3  }
0x113: {  	[tilespmem:v59+s13+$0x0] =	vst.idx.msk $0xffff, v9  }
0x114: {  	v9 =	vld.idx.msk [tilespmem:v60+s11+$0x0], $0xffff;
	_ =	sdelay $0x7  }
0x115: {  	v9 =	vld.idx.msk [tilespmem:v9+s2+$0x0], $0xffff  }
0x116: {  	v61 =	vor.u32 v4, v8;
	_ =	sdelay $0x3  }
0x117: {  	[tilespmem:v60+s13+$0x0] =	vst.idx.msk $0xffff, v9  }
0x118: {  	v9 =	vld.idx.msk [tilespmem:v61+s11+$0x0], $0xffff;
	_ =	sdelay $0x7  }
0x119: {  	v9 =	vld.idx.msk [tilespmem:v9+s2+$0x0], $0xffff  }
0x11a: {  	v62 =	vor.u32 v5, v8;
	_ =	sdelay $0x3  }
0x11b: {  	[tilespmem:v61+s13+$0x0] =	vst.idx.msk $0xffff, v9  }
0x11c: {  	v9 =	vld.idx.msk [tilespmem:v62+s11+$0x0], $0xffff;
	_ =	sdelay $0x7  }
0x11d: {  	v9 =	vld.idx.msk [tilespmem:v9+s2+$0x0], $0xffff  }
0x11e: {  	v63 =	vor.u32 v6, v8;
	_ =	sdelay $0x3  }
0x11f: {  	[tilespmem:v62+s13+$0x0] =	vst.idx.msk $0xffff, v9  }
0x120: {  	v9 =	vld.idx.msk [tilespmem:v63+s11+$0x0], $0xffff;
	_ =	sdelay $0x7  }
0x121: {  	v9 =	vld.idx.msk [tilespmem:v9+s2+$0x0], $0xffff  }
0x122: {  	v8 =	vor.u32 v7, v8;
	_ =	sdelay $0x3  }
0x123: {  	[tilespmem:v63+s13+$0x0] =	vst.idx.msk $0xffff, v9  }
0x124: {  	v9 =	vld.idx.msk [tilespmem:v8+s11+$0x0], $0xffff;
	_ =	sdelay $0x7  }
0x125: {  	p0 =	sne.s32 s19, $0x1880;
	v9 =	vld.idx.msk [tilespmem:v9+s2+$0x0], $0xffff  }
.Ltmp5:
0x126: {  	_ = 	snop;
	(pc) =	sbr.rel @p0 .LBB2_13-.Ltmp5, $2  }
0x127: {  	_ =	sdelay $0x2  }
0x128: {  	s19 =	sadd.s32 $0x80, s19;
	[tilespmem:v8+s13+$0x0] =	vst.idx.msk $0xffff, v9  }
0x129: {  	s20 =	sadd.s32 $0xFA0, s17;
	s19 =	simm.s32 $0x0  }
0x12a: {  	[hbm4b:s20+s19] =	stream.linear.scatter [tilespmem:s13], [sflag:$0x2], $0x1900, $0x38;
	[tilespmem:$0x1EB00] =	vst v63  }
0x12b: {  	_ =	swait.ge [sflag:s10], $0x1900  }
0x12c: {  	[sflag:s10] =	ssyncset.done $0x0  }
0x12d: {  	s18 =	sadd.s32 $0x15E0, s18;
	[sflag:s10] =	ssyncadd.s32 $0xFFFFE700  }
0x12e: {  	[tilespmem:s11], [sflag:$0x1] =	stream.linear.gather [hbm4b:s18+s19], $0x1900, $0x38;
	[tilespmem:$0x1EB00] =	vst v63  }
0x12f: {  	_ =	swait.ge [sflag:s14], $0x1900  }
0x130: {  	[sflag:s14] =	ssyncset.done $0x0  }
0x131: {  	[sflag:s14] =	ssyncadd.s32 $0xFFFFE700  }
.LBB2_15:
0x132: {  	v8 =	vmov s19  }
0x133: {  	v8 =	vshrl.u32 v8, $0x7  }
0x134: {  	v8 =	vshll.u32 v8, $0x7  }
0x135: {  	v8 =	vbroadcast v8, $0x0;
	_ =	sdelay $0x1  }
0x136: {  	v9 =	vor.u32 v0, v8;
	_ =	sdelay $0x4  }
0x137: {  	v10 =	vld.idx.msk [tilespmem:v9+s9+$0x0], $0xffff;
	_ =	sdelay $0x7  }
0x138: {  	v10 =	vld.idx.msk [tilespmem:v10+s2+$0x0], $0xffff  }
0x139: {  	v11 =	vor.u32 v1, v8;
	_ =	sdelay $0x3  }
0x13a: {  	[tilespmem:v9+s12+$0x0] =	vst.idx.msk $0xffff, v10  }
0x13b: {  	v9 =	vld.idx.msk [tilespmem:v11+s9+$0x0], $0xffff;
	_ =	sdelay $0x7  }
0x13c: {  	v9 =	vld.idx.msk [tilespmem:v9+s2+$0x0], $0xffff  }
0x13d: {  	v59 =	vor.u32 v2, v8;
	_ =	sdelay $0x3  }
0x13e: {  	[tilespmem:v11+s12+$0x0] =	vst.idx.msk $0xffff, v9  }
0x13f: {  	v9 =	vld.idx.msk [tilespmem:v59+s9+$0x0], $0xffff;
	_ =	sdelay $0x7  }
0x140: {  	v9 =	vld.idx.msk [tilespmem:v9+s2+$0x0], $0xffff  }
0x141: {  	v60 =	vor.u32 v3, v8;
	_ =	sdelay $0x3  }
0x142: {  	[tilespmem:v59+s12+$0x0] =	vst.idx.msk $0xffff, v9  }
0x143: {  	v9 =	vld.idx.msk [tilespmem:v60+s9+$0x0], $0xffff;
	_ =	sdelay $0x7  }
0x144: {  	v9 =	vld.idx.msk [tilespmem:v9+s2+$0x0], $0xffff  }
0x145: {  	v61 =	vor.u32 v4, v8;
	_ =	sdelay $0x3  }
0x146: {  	[tilespmem:v60+s12+$0x0] =	vst.idx.msk $0xffff, v9  }
0x147: {  	v9 =	vld.idx.msk [tilespmem:v61+s9+$0x0], $0xffff;
	_ =	sdelay $0x7  }
0x148: {  	v9 =	vld.idx.msk [tilespmem:v9+s2+$0x0], $0xffff  }
0x149: {  	v62 =	vor.u32 v5, v8;
	_ =	sdelay $0x3  }
0x14a: {  	[tilespmem:v61+s12+$0x0] =	vst.idx.msk $0xffff, v9  }
0x14b: {  	v9 =	vld.idx.msk [tilespmem:v62+s9+$0x0], $0xffff;
	_ =	sdelay $0x7  }
0x14c: {  	v9 =	vld.idx.msk [tilespmem:v9+s2+$0x0], $0xffff  }
0x14d: {  	v63 =	vor.u32 v6, v8;
	_ =	sdelay $0x3  }
0x14e: {  	[tilespmem:v62+s12+$0x0] =	vst.idx.msk $0xffff, v9  }
0x14f: {  	v9 =	vld.idx.msk [tilespmem:v63+s9+$0x0], $0xffff;
	_ =	sdelay $0x7  }
0x150: {  	v9 =	vld.idx.msk [tilespmem:v9+s2+$0x0], $0xffff  }
0x151: {  	v8 =	vor.u32 v7, v8;
	_ =	sdelay $0x3  }
0x152: {  	[tilespmem:v63+s12+$0x0] =	vst.idx.msk $0xffff, v9  }
0x153: {  	v9 =	vld.idx.msk [tilespmem:v8+s9+$0x0], $0xffff;
	_ =	sdelay $0x7  }
0x154: {  	p0 =	sne.s32 s19, $0x1880;
	v9 =	vld.idx.msk [tilespmem:v9+s2+$0x0], $0xffff  }
.Ltmp6:
0x155: {  	_ = 	snop;
	(pc) =	sbr.rel @p0 .LBB2_15-.Ltmp6, $2  }
0x156: {  	_ =	sdelay $0x2  }
0x157: {  	s19 =	sadd.s32 $0x80, s19;
	[tilespmem:v8+s12+$0x0] =	vst.idx.msk $0xffff, v9  }
0x158: {  	s19 =	sadd.s32 $0x12C0, s17;
	s18 =	simm.s32 $0x0  }
0x159: {  	[hbm4b:s19+s18] =	stream.linear.scatter [tilespmem:s12], [sflag:$0x2], $0x1900, $0x38;
	[tilespmem:$0x1EB00] =	vst v63  }
0x15a: {  	_ =	swait.ge [sflag:s10], $0x1900  }
0x15b: {  	[sflag:s10] =	ssyncset.done $0x0  }
0x15c: {  	[sflag:s10] =	ssyncadd.s32 $0xFFFFE700  }
0x15d: {  	_ =	swait.ge [sflag:s14], $0x1900  }
0x15e: {  	[sflag:s14] =	ssyncset.done $0x0  }
0x15f: {  	[sflag:s14] =	ssyncadd.s32 $0xFFFFE700  }
.LBB2_17:
0x160: {  	v8 =	vmov s18  }
0x161: {  	v8 =	vshrl.u32 v8, $0x7  }
0x162: {  	v8 =	vshll.u32 v8, $0x7  }
0x163: {  	v8 =	vbroadcast v8, $0x0;
	_ =	sdelay $0x1  }
0x164: {  	v9 =	vor.u32 v0, v8;
	_ =	sdelay $0x4  }
0x165: {  	v10 =	vld.idx.msk [tilespmem:v9+s11+$0x0], $0xffff;
	_ =	sdelay $0x7  }
0x166: {  	v10 =	vld.idx.msk [tilespmem:v10+s2+$0x0], $0xffff  }
0x167: {  	v11 =	vor.u32 v1, v8;
	_ =	sdelay $0x3  }
0x168: {  	[tilespmem:v9+s13+$0x0] =	vst.idx.msk $0xffff, v10  }
0x169: {  	v9 =	vld.idx.msk [tilespmem:v11+s11+$0x0], $0xffff;
	_ =	sdelay $0x7  }
0x16a: {  	v9 =	vld.idx.msk [tilespmem:v9+s2+$0x0], $0xffff  }
0x16b: {  	v59 =	vor.u32 v2, v8;
	_ =	sdelay $0x3  }
0x16c: {  	[tilespmem:v11+s13+$0x0] =	vst.idx.msk $0xffff, v9  }
0x16d: {  	v9 =	vld.idx.msk [tilespmem:v59+s11+$0x0], $0xffff;
	_ =	sdelay $0x7  }
0x16e: {  	v9 =	vld.idx.msk [tilespmem:v9+s2+$0x0], $0xffff  }
0x16f: {  	v60 =	vor.u32 v3, v8;
	_ =	sdelay $0x3  }
0x170: {  	[tilespmem:v59+s13+$0x0] =	vst.idx.msk $0xffff, v9  }
0x171: {  	v9 =	vld.idx.msk [tilespmem:v60+s11+$0x0], $0xffff;
	_ =	sdelay $0x7  }
0x172: {  	v9 =	vld.idx.msk [tilespmem:v9+s2+$0x0], $0xffff  }
0x173: {  	v61 =	vor.u32 v4, v8;
	_ =	sdelay $0x3  }
0x174: {  	[tilespmem:v60+s13+$0x0] =	vst.idx.msk $0xffff, v9  }
0x175: {  	v9 =	vld.idx.msk [tilespmem:v61+s11+$0x0], $0xffff;
	_ =	sdelay $0x7  }
0x176: {  	v9 =	vld.idx.msk [tilespmem:v9+s2+$0x0], $0xffff  }
0x177: {  	v62 =	vor.u32 v5, v8;
	_ =	sdelay $0x3  }
0x178: {  	[tilespmem:v61+s13+$0x0] =	vst.idx.msk $0xffff, v9  }
0x179: {  	v9 =	vld.idx.msk [tilespmem:v62+s11+$0x0], $0xffff;
	_ =	sdelay $0x7  }
0x17a: {  	v9 =	vld.idx.msk [tilespmem:v9+s2+$0x0], $0xffff  }
0x17b: {  	v63 =	vor.u32 v6, v8;
	_ =	sdelay $0x3  }
0x17c: {  	[tilespmem:v62+s13+$0x0] =	vst.idx.msk $0xffff, v9  }
0x17d: {  	v9 =	vld.idx.msk [tilespmem:v63+s11+$0x0], $0xffff;
	_ =	sdelay $0x7  }
0x17e: {  	v9 =	vld.idx.msk [tilespmem:v9+s2+$0x0], $0xffff  }
0x17f: {  	v8 =	vor.u32 v7, v8;
	_ =	sdelay $0x3  }
0x180: {  	[tilespmem:v63+s13+$0x0] =	vst.idx.msk $0xffff, v9  }
0x181: {  	v9 =	vld.idx.msk [tilespmem:v8+s11+$0x0], $0xffff;
	_ =	sdelay $0x7  }
0x182: {  	p0 =	sne.s32 s18, $0x1880;
	v9 =	vld.idx.msk [tilespmem:v9+s2+$0x0], $0xffff  }
.Ltmp7:
0x183: {  	_ = 	snop;
	(pc) =	sbr.rel @p0 .LBB2_17-.Ltmp7, $2  }
0x184: {  	_ =	sdelay $0x2  }
0x185: {  	s18 =	sadd.s32 $0x80, s18;
	[tilespmem:v8+s13+$0x0] =	vst.idx.msk $0xffff, v9  }
0x186: {  	s17 =	sadd.s32 $0x15E0, s17;
	s16 =	sadd.s32 $0x1, s16  }
0x187: {  	[hbm4b:s17+s2] =	stream.linear.scatter [tilespmem:s13], [sflag:$0x2], $0x1900, $0x38;
	[tilespmem:$0x1EB00] =	vst v63  }
0x188: {  	p0 =	sne.s32 s16, $0x1B;
	_ =	swait.ge [sflag:s14], $0x1900  }
.Ltmp8:
0x189: {  	[sflag:s14] =	ssyncset.done $0x0;
	(pc) =	sbr.rel @p0 .LBB2_2-.Ltmp8, $4  }
0x18a: {  	[sflag:s14] =	ssyncadd.s32 $0xFFFFE700  }
0x18b: {  	_ =	swait.ge [sflag:s14], $0x1900  }
0x18c: {  	[sflag:s14] =	ssyncset.done $0x0  }
0x18d: {  	[sflag:s14] =	ssyncadd.s32 $0xFFFFE700  }
0x18e: {  	s15 =	sadd.s32 $0x1, s15  }
0x18f: {  	p0 =	sne.s32 s15, s7  }
.Ltmp9:
0x190: {  	_ = 	snop;
	(pc) =	sbr.rel @p0 .LBB2_1-.Ltmp9, $1  }
0x191: {  	_ =	sdelay $0x3  }
0x192: {  	_ =	sfence.sel $0x180000  }
0x193: {  	[bflag:$0x0] =	sbarrier.arrive $0xFFFF  }
0x194: {  	p0 =	sne.s32 s3, $0x0;
	_ =	strace $0x90000047  }
0x195: {  	s0 =	sadd.s32 @!p0 $0x100000, s0;
	[bflag:$0x2] =	sbarrier.arrive $0xFFFF  }
0x196: {  	[sflag:s0] =	ssyncadd.tile.s32 @!p0 $0x1;
	_ =	shalt  }
.Lfunc_end2:
_tile_overlayer_lowered:
.L_overlay_start_2:
0x197: {  	(tag) =	ssettag $0x2  }
0x198: {  	s0 =	rddreg [dreg:$0x0];
	s2 =	stileid.u32  }
0x199: {  	s1 =	rddreg [dreg:$0x1];
	p0 =	sne.s32 s2, $0x0  }
0x19a: {  	s3 =	rddreg [dreg:$0x2];
	[bflag:$0x3] =	sbarrier.arrive $0xFFFF;
	s2 =	simm.s32 @!p0 $0x1C03  }
0x19b: {  	[timem:s3], [sflag:s2] =	dma.local @!p0 [hbm:s0], s1  }
0x19c: {  	s0 =	simm.s32 @!p0 $0x3  }
0x19d: {  	_ =	swait.ge @!p0 [sflag:s0], s1  }
0x19e: {  	s1 =	ssub.s32 @!p0 $0x0, s1;
	[sflag:s0] =	ssyncset.done @!p0 $0x0  }
0x19f: {  	[sflag:s0] =	ssyncadd.s32 @!p0 s1  }
0x1a0: {  	[bflag:$0x3] =	sbarrier.arrive $0xFFFF  }
0x1a1: {  	_ =	shalt  }

</sc_bundles>
